<compile_context>
chip_gen: v7x
topology: tpu7x:2x2x1
jax: 0.10.2.dev20260603
libtpu: 0.0.44.dev20260713+nightly
codegen_flags: <defaults>
</compile_context>

<pallas_src>
import functools
import jax
import jax.numpy as jnp
from jax import lax
from jax.experimental import pallas as pl
from jax.experimental.pallas import tpu as pltpu
from jax.experimental.pallas import tpu_sc as plsc

N, C, HIN, WIN = 4, 96, 192, 192
HOUT, WOUT = 384, 384
NP = N * C
NIDX = HIN * WIN
PLANE = HOUT * WOUT

NSEG = 2
SEG = PLANE // NSEG
TASKS = NP * NSEG
NWORK = 32
TPW = TASKS // NWORK
CH = 12288
NCHUNK = NIDX // CH
L = 16


def _unpool_body(x_hbm, idx_hbm, out_hbm, seg_buf, idx_v, val_v, shared,
                 sem_a, sem_b, sem_o):
    sid = lax.axis_index("s")
    wid = sid * 2 + lax.axis_index("c")

    zeros = jnp.zeros((L,), jnp.float32)
    sems = (sem_a, sem_b)

    def task_body(t, carry):
        task = wid * TPW + t
        plane = task // NSEG
        seg = task % NSEG
        base = (seg * SEG).astype(jnp.int32)

        @pl.when(t > 0)
        def _():
            pltpu.make_async_copy(
                out_hbm.at[0, pl.ds(0, SEG // 2)], shared,
                sem_o).wait()

        descs = [
            pltpu.async_copy(idx_hbm.at[plane, pl.ds(0, CH)], idx_v.at[0],
                             sems[0]),
            pltpu.async_copy(x_hbm.at[plane, pl.ds(0, CH)], val_v.at[0],
                             sems[0]),
        ]

        @plsc.parallel_loop(0, SEG, L, unroll=16)
        def _(i):
            seg_buf[pl.ds(i, L)] = zeros

        for k in range(NCHUNK):
            b = k % 2
            descs[0].wait()
            descs[1].wait()
            if k + 1 < NCHUNK:
                nb = (k + 1) % 2
                descs = [
                    pltpu.async_copy(
                        idx_hbm.at[plane, pl.ds((k + 1) * CH, CH)],
                        idx_v.at[nb], sems[nb]),
                    pltpu.async_copy(
                        x_hbm.at[plane, pl.ds((k + 1) * CH, CH)],
                        val_v.at[nb], sems[nb]),
                ]

            @plsc.parallel_loop(0, CH, L, unroll=16)
            def _(j, b=b):
                iv = idx_v[b, pl.ds(j, L)]
                vv = val_v[b, pl.ds(j, L)]
                loc = iv - base
                m = plsc.bitcast(loc, jnp.uint32) < jnp.uint32(SEG)
                plsc.store_scatter(seg_buf, [loc], vv, mask=m)

        H = SEG // 2
        pltpu.sync_copy(seg_buf.at[pl.ds(0, H)], shared)
        pltpu.async_copy(shared, out_hbm.at[plane, pl.ds(base, H)],
                         sem_o)
        pltpu.sync_copy(seg_buf.at[pl.ds(H, H)],
                        out_hbm.at[plane, pl.ds(base + H, H)])
        return carry

    lax.fori_loop(0, TPW, task_body, 0)
    pltpu.make_async_copy(
        out_hbm.at[0, pl.ds(0, SEG // 2)], shared, sem_o).wait()


@jax.jit
def _unpool(x2d, idx2d):
    mesh = plsc.VectorSubcoreMesh(core_axis_name="c", subcore_axis_name="s")
    return pl.kernel(
        _unpool_body,
        out_type=jax.ShapeDtypeStruct((NP, PLANE), jnp.float32),
        mesh=mesh,
        compiler_params=pltpu.CompilerParams(
            needs_layout_passes=False, use_tc_tiling_on_sc=False),
        scratch_types=[
            pltpu.VMEM((SEG,), jnp.float32),
            pltpu.VMEM((2, CH), jnp.int32),
            pltpu.VMEM((2, CH), jnp.float32),
            pltpu.VMEM_SHARED((SEG // 2,), jnp.float32),
            pltpu.SemaphoreType.DMA,
            pltpu.SemaphoreType.DMA,
            pltpu.SemaphoreType.DMA,
        ],
    )(x2d, idx2d)


def kernel(x, indices, output_size):
    x2d = x.reshape(NP, NIDX)
    idx2d = indices.reshape(NP, NIDX)
    out = _unpool(x2d, idx2d)
    return out.reshape(N, C, HOUT, WOUT)

# --- scband reference (transcript-rebuilt; emitter-appended) ---
"""Pipeline reference for scband-torch-ops-aten-max-unpool2-dmodule-53987738910856 (READ-ONLY COPY).

The authoritative reference and input builder live on the scoring server;
editing this copy changes nothing except your own understanding.
"""

import jax, jax.numpy as jnp
import numpy as np

N, C, HIN, WIN = 4, 96, 192, 192
HOUT, WOUT = 384, 384


def setup_inputs(seed: int = 0) -> dict:
    key = jax.random.key(seed)
    k1, k2 = jax.random.split(key)
    x = jax.random.normal(k1, (N, C, HIN, WIN), dtype=jnp.float32)
    indices = jax.random.randint(k2, (N, C, HIN, WIN), 0, HOUT * WOUT, dtype=jnp.int32)
    output_size = jnp.array([HOUT, WOUT], dtype=jnp.int32)
    return {"x": x, "indices": indices, "output_size": output_size}


def reference(x, indices, output_size):
    # aten.max_unpool2d: scatter each input value into a zero-initialized
    # (H_out*W_out) plane at the flat position given by `indices`, per (n, c).
    n, c, hin, win = x.shape
    hout = HOUT
    wout = WOUT
    plane = output_size[0].astype(jnp.int32) * output_size[1].astype(jnp.int32)
    x_flat = x.reshape(n * c, hin * win)
    idx_flat = indices.reshape(n * c, hin * win) % plane
    rows = jnp.arange(n * c)[:, None]
    out = jnp.zeros((n * c, hout * wout), dtype=x.dtype).at[rows, idx_flat].set(x_flat)
    return out.reshape(n, c, hout, wout)

if __name__ == "__main__":
    import jax
    _d = setup_inputs()
    print(jax.jit(kernel)(*tuple(_d.values())))

</pallas_src>

<mosaic_0001>
#map = affine_map<(d0, d1) -> (0, 0)>
module attributes {stable_mosaic.version = 14 : i64} {
  func.func @_unpool_body(%arg0: i32, %arg1: i32, %arg2: memref<384x36864xf32, #tpu.memory_space<hbm>>, %arg3: memref<384x36864xi32, #tpu.memory_space<hbm>>, %arg4: memref<384x147456xf32, #tpu.memory_space<hbm>>, %arg5: memref<73728xf32, #tpu.memory_space<vmem>>, %arg6: memref<2x12288xi32, #tpu.memory_space<vmem>>, %arg7: memref<2x12288xf32, #tpu.memory_space<vmem>>, %arg8: memref<36864xf32, #tpu.memory_space<vmem_shared>>, %arg9: memref<!tpu.dma_semaphore, #tpu.memory_space<semaphore_mem>>, %arg10: memref<!tpu.dma_semaphore, #tpu.memory_space<semaphore_mem>>, %arg11: memref<!tpu.dma_semaphore, #tpu.memory_space<semaphore_mem>>) attributes {dimension_semantics = [#tpu.dimension_semantics<core_parallel>, #tpu.dimension_semantics<subcore_parallel>], iteration_bounds = array<i64: 2, 16>, scalar_prefetch = 0 : i64, scratch_operands = 7 : i64, tpu.core_type = #tpu.core_type<sc_vector_subcore>, window_params = [{transform_indices = #map}, {transform_indices = #map}, {transform_indices = #map}]} {
    %mul3A = arith.constant 2 : i32
    %mul3A_0 = arith.muli %arg1, %mul3A : i32
    %add3A = arith.addi %mul3A_0, %arg0 : i32
    %broadcast_in_dim3A = arith.constant 0.000000e+00 : f32
    %broadcast_in_dim3A_1 = vector.broadcast %broadcast_in_dim3A : f32 to vector<16xf32>
    %scan3A = arith.constant 0 : i32
    %scan3A_2 = arith.constant 0 : i32
    %scan3A_3 = arith.constant 24 : i32
    %scan3A_4 = arith.addi %scan3A_2, %scan3A_3 : i32
    %scan3A_5 = arith.constant 1 : i32
    scf.for %scan3A_10 = %scan3A_2 to %scan3A_4 step %scan3A_5  : i32 {
      %mul3A_11 = arith.constant 24 : i32
      %mul3A_12 = arith.muli %add3A, %mul3A_11 : i32
      %add3A_13 = arith.addi %mul3A_12, %scan3A_10 : i32
      %jit3A = arith.constant 2 : i32
      %div3A = arith.divsi %add3A_13, %jit3A : i32
      %sign3A = arith.constant 0 : i32
      %sign3A_14 = arith.cmpi sgt, %add3A_13, %sign3A : i32
      %sign3A_15 = arith.extui %sign3A_14 : i1 to i32
      %sign3A_16 = arith.constant 0 : i32
      %sign3A_17 = arith.cmpi slt, %add3A_13, %sign3A_16 : i32
      %sign3A_18 = arith.extui %sign3A_17 : i1 to i32
      %sign3A_19 = arith.subi %sign3A_15, %sign3A_18 : i32
      %sign3A_20 = arith.constant 0 : i32
      %sign3A_21 = arith.cmpi sgt, %jit3A, %sign3A_20 : i32
      %sign3A_22 = arith.extui %sign3A_21 : i1 to i32
      %sign3A_23 = arith.constant 0 : i32
      %sign3A_24 = arith.cmpi slt, %jit3A, %sign3A_23 : i32
      %sign3A_25 = arith.extui %sign3A_24 : i1 to i32
      %sign3A_26 = arith.subi %sign3A_22, %sign3A_25 : i32
      %ne3A = arith.cmpi ne, %sign3A_19, %sign3A_26 : i32
      %rem3A = arith.remsi %add3A_13, %jit3A : i32
      %ne3A_27 = arith.constant 0 : i32
      %ne3A_28 = arith.cmpi ne, %rem3A, %ne3A_27 : i32
      %and3A = arith.andi %ne3A, %ne3A_28 : i1
      %sub3A = arith.constant 1 : i32
      %sub3A_29 = arith.subi %div3A, %sub3A : i32
      %select_n3A = arith.select %and3A, %sub3A_29, %div3A : i32
      %jit3A_30 = arith.constant 2 : i32
      %eq3A = arith.constant 0 : i32
      %eq3A_31 = arith.cmpi eq, %jit3A_30, %eq3A : i32
      %jit3A_32 = arith.constant 1 : i32
      %select_n3A_33 = arith.select %eq3A_31, %jit3A_32, %jit3A_30 : i32
      %rem3A_34 = arith.remsi %add3A_13, %select_n3A_33 : i32
      %ne3A_35 = arith.constant 0 : i32
      %ne3A_36 = arith.cmpi ne, %rem3A_34, %ne3A_35 : i32
      %lt3A = arith.constant 0 : i32
      %lt3A_37 = arith.cmpi slt, %rem3A_34, %lt3A : i32
      %lt3A_38 = arith.constant 0 : i32
      %lt3A_39 = arith.cmpi slt, %select_n3A_33, %lt3A_38 : i32
      %ne3A_40 = arith.xori %lt3A_37, %lt3A_39 : i1
      %and3A_41 = arith.andi %ne3A_40, %ne3A_36 : i1
      %add3A_42 = arith.addi %rem3A_34, %select_n3A_33 : i32
      %select_n3A_43 = arith.select %and3A_41, %add3A_42, %rem3A_34 : i32
      %mul3A_44 = arith.constant 73728 : i32
      %mul3A_45 = arith.muli %select_n3A_43, %mul3A_44 : i32
      %gt3A = arith.constant 0 : i32
      %gt3A_46 = arith.cmpi sgt, %scan3A_10, %gt3A : i32
      %convert_element_type3A = arith.extui %gt3A_46 : i1 to i32
      %cond3A = arith.constant 0 : i32
      %cond3A_47 = arith.cmpi ne, %convert_element_type3A, %cond3A : i32
      scf.if %cond3A_47 {
        %dma_wait3A_218 = arith.constant 0 : i32
        %dma_wait3A_219 = arith.constant 0 : i32
        %dma_wait3A_220 = tpu.memref_slice %arg4[%dma_wait3A_218, %dma_wait3A_219] : memref<384x147456xf32, #tpu.memory_space<hbm>> -> memref<1x36864xf32, #tpu.memory_space<hbm>>
        %dma_wait3A_221 = tpu.memref_squeeze %dma_wait3A_220 : memref<1x36864xf32, #tpu.memory_space<hbm>> -> memref<36864xf32, #tpu.memory_space<hbm>>
        tpu.wait_dma2 semaphore(%arg11 : memref<!tpu.dma_semaphore, #tpu.memory_space<semaphore_mem>>) src(%dma_wait3A_221 : memref<36864xf32, #tpu.memory_space<hbm>>) dst(%arg8 : memref<36864xf32, #tpu.memory_space<vmem_shared>>)
      } else {
      }
      %dma_start3A = arith.constant 0 : i32
      %dma_start3A_48 = arith.constant 0 : i32
      %dma_start3A_49 = tpu.memref_slice %arg6[%dma_start3A, %dma_start3A_48] : memref<2x12288xi32, #tpu.memory_space<vmem>> -> memref<1x12288xi32, #tpu.memory_space<vmem>>
      %dma_start3A_50 = tpu.memref_squeeze %dma_start3A_49 : memref<1x12288xi32, #tpu.memory_space<vmem>> -> memref<12288xi32, #tpu.memory_space<vmem>>
      %dma_start3A_51 = arith.constant 0 : i32
      %dma_start3A_52 = tpu.memref_slice %arg3[%select_n3A, %dma_start3A_51] : memref<384x36864xi32, #tpu.memory_space<hbm>> -> memref<1x12288xi32, #tpu.memory_space<hbm>>
      %dma_start3A_53 = tpu.memref_squeeze %dma_start3A_52 : memref<1x12288xi32, #tpu.memory_space<hbm>> -> memref<12288xi32, #tpu.memory_space<hbm>>
      %dma_start3A_54 = arith.constant 0 : i32
      %dma_start3A_55 = tpu.memref_slice %arg6[%dma_start3A, %dma_start3A_54] : memref<2x12288xi32, #tpu.memory_space<vmem>> -> memref<1x12288xi32, #tpu.memory_space<vmem>>
      %dma_start3A_56 = tpu.memref_squeeze %dma_start3A_55 : memref<1x12288xi32, #tpu.memory_space<vmem>> -> memref<12288xi32, #tpu.memory_space<vmem>>
      %dma_start3A_57 = arith.constant 0 : i32
      %dma_start3A_58 = tpu.memref_slice %arg3[%select_n3A, %dma_start3A_57] : memref<384x36864xi32, #tpu.memory_space<hbm>> -> memref<1x12288xi32, #tpu.memory_space<hbm>>
      %dma_start3A_59 = tpu.memref_squeeze %dma_start3A_58 : memref<1x12288xi32, #tpu.memory_space<hbm>> -> memref<12288xi32, #tpu.memory_space<hbm>>
      tpu.enqueue_dma source(%dma_start3A_59 : memref<12288xi32, #tpu.memory_space<hbm>>) target(%dma_start3A_56 : memref<12288xi32, #tpu.memory_space<vmem>>) target_semaphore(%arg9 : memref<!tpu.dma_semaphore, #tpu.memory_space<semaphore_mem>>)
      %dma_start3A_60 = arith.constant 0 : i32
      %dma_start3A_61 = arith.constant 0 : i32
      %dma_start3A_62 = tpu.memref_slice %arg7[%dma_start3A_60, %dma_start3A_61] : memref<2x12288xf32, #tpu.memory_space<vmem>> -> memref<1x12288xf32, #tpu.memory_space<vmem>>
      %dma_start3A_63 = tpu.memref_squeeze %dma_start3A_62 : memref<1x12288xf32, #tpu.memory_space<vmem>> -> memref<12288xf32, #tpu.memory_space<vmem>>
      %dma_start3A_64 = arith.constant 0 : i32
      %dma_start3A_65 = tpu.memref_slice %arg2[%select_n3A, %dma_start3A_64] : memref<384x36864xf32, #tpu.memory_space<hbm>> -> memref<1x12288xf32, #tpu.memory_space<hbm>>
      %dma_start3A_66 = tpu.memref_squeeze %dma_start3A_65 : memref<1x12288xf32, #tpu.memory_space<hbm>> -> memref<12288xf32, #tpu.memory_space<hbm>>
      %dma_start3A_67 = arith.constant 0 : i32
      %dma_start3A_68 = tpu.memref_slice %arg7[%dma_start3A_60, %dma_start3A_67] : memref<2x12288xf32, #tpu.memory_space<vmem>> -> memref<1x12288xf32, #tpu.memory_space<vmem>>
      %dma_start3A_69 = tpu.memref_squeeze %dma_start3A_68 : memref<1x12288xf32, #tpu.memory_space<vmem>> -> memref<12288xf32, #tpu.memory_space<vmem>>
      %dma_start3A_70 = arith.constant 0 : i32
      %dma_start3A_71 = tpu.memref_slice %arg2[%select_n3A, %dma_start3A_70] : memref<384x36864xf32, #tpu.memory_space<hbm>> -> memref<1x12288xf32, #tpu.memory_space<hbm>>
      %dma_start3A_72 = tpu.memref_squeeze %dma_start3A_71 : memref<1x12288xf32, #tpu.memory_space<hbm>> -> memref<12288xf32, #tpu.memory_space<hbm>>
      tpu.enqueue_dma source(%dma_start3A_72 : memref<12288xf32, #tpu.memory_space<hbm>>) target(%dma_start3A_69 : memref<12288xf32, #tpu.memory_space<vmem>>) target_semaphore(%arg9 : memref<!tpu.dma_semaphore, #tpu.memory_space<semaphore_mem>>)
      %parallel_loop3A = arith.constant 0 : i32
      %parallel_loop3A_73 = arith.constant 73728 : i32
      %parallel_loop3A_74 = arith.constant 16 : i32
      scf.for %parallel_loop3A_218 = %parallel_loop3A to %parallel_loop3A_73 step %parallel_loop3A_74  : i32 {
        %parallel_loop3A_219 = arith.index_cast %parallel_loop3A_218 : i32 to index
        %parallel_loop3A_220 = tpu.vector_load %arg5[%parallel_loop3A_219] {strides = array<i32>} : memref<73728xf32, #tpu.memory_space<vmem>>, vector<16xf32>,
        tpu.vector_store %arg5[%parallel_loop3A_219], %broadcast_in_dim3A_1 {strides = array<i32>} : memref<73728xf32, #tpu.memory_space<vmem>>, vector<16xf32>,
      } {sc.loop_unroll_factor = 16 : i64, sc.parallel_access}
      %dma_wait3A_75 = arith.constant 0 : i32
      %dma_wait3A_76 = arith.constant 0 : i32
      %dma_wait3A_77 = tpu.memref_slice %arg6[%dma_wait3A_75, %dma_wait3A_76] : memref<2x12288xi32, #tpu.memory_space<vmem>> -> memref<1x12288xi32, #tpu.memory_space<vmem>>
      %dma_wait3A_78 = tpu.memref_squeeze %dma_wait3A_77 : memref<1x12288xi32, #tpu.memory_space<vmem>> -> memref<12288xi32, #tpu.memory_space<vmem>>
      %dma_wait3A_79 = arith.constant 0 : i32
      %dma_wait3A_80 = tpu.memref_slice %arg3[%select_n3A, %dma_wait3A_79] : memref<384x36864xi32, #tpu.memory_space<hbm>> -> memref<1x12288xi32, #tpu.memory_space<hbm>>
      %dma_wait3A_81 = tpu.memref_squeeze %dma_wait3A_80 : memref<1x12288xi32, #tpu.memory_space<hbm>> -> memref<12288xi32, #tpu.memory_space<hbm>>
      %dma_wait3A_82 = arith.constant 0 : i32
      %dma_wait3A_83 = tpu.memref_slice %arg6[%dma_wait3A_75, %dma_wait3A_82] : memref<2x12288xi32, #tpu.memory_space<vmem>> -> memref<1x12288xi32, #tpu.memory_space<vmem>>
      %dma_wait3A_84 = tpu.memref_squeeze %dma_wait3A_83 : memref<1x12288xi32, #tpu.memory_space<vmem>> -> memref<12288xi32, #tpu.memory_space<vmem>>
      %dma_wait3A_85 = arith.constant 0 : i32
      %dma_wait3A_86 = tpu.memref_slice %arg3[%select_n3A, %dma_wait3A_85] : memref<384x36864xi32, #tpu.memory_space<hbm>> -> memref<1x12288xi32, #tpu.memory_space<hbm>>
      %dma_wait3A_87 = tpu.memref_squeeze %dma_wait3A_86 : memref<1x12288xi32, #tpu.memory_space<hbm>> -> memref<12288xi32, #tpu.memory_space<hbm>>
      tpu.wait_dma2 semaphore(%arg9 : memref<!tpu.dma_semaphore, #tpu.memory_space<semaphore_mem>>) src(%dma_wait3A_87 : memref<12288xi32, #tpu.memory_space<hbm>>) dst(%dma_wait3A_84 : memref<12288xi32, #tpu.memory_space<vmem>>)
      %dma_wait3A_88 = arith.constant 0 : i32
      %dma_wait3A_89 = arith.constant 0 : i32
      %dma_wait3A_90 = tpu.memref_slice %arg7[%dma_wait3A_88, %dma_wait3A_89] : memref<2x12288xf32, #tpu.memory_space<vmem>> -> memref<1x12288xf32, #tpu.memory_space<vmem>>
      %dma_wait3A_91 = tpu.memref_squeeze %dma_wait3A_90 : memref<1x12288xf32, #tpu.memory_space<vmem>> -> memref<12288xf32, #tpu.memory_space<vmem>>
      %dma_wait3A_92 = arith.constant 0 : i32
      %dma_wait3A_93 = tpu.memref_slice %arg2[%select_n3A, %dma_wait3A_92] : memref<384x36864xf32, #tpu.memory_space<hbm>> -> memref<1x12288xf32, #tpu.memory_space<hbm>>
      %dma_wait3A_94 = tpu.memref_squeeze %dma_wait3A_93 : memref<1x12288xf32, #tpu.memory_space<hbm>> -> memref<12288xf32, #tpu.memory_space<hbm>>
      %dma_wait3A_95 = arith.constant 0 : i32
      %dma_wait3A_96 = tpu.memref_slice %arg7[%dma_wait3A_88, %dma_wait3A_95] : memref<2x12288xf32, #tpu.memory_space<vmem>> -> memref<1x12288xf32, #tpu.memory_space<vmem>>
      %dma_wait3A_97 = tpu.memref_squeeze %dma_wait3A_96 : memref<1x12288xf32, #tpu.memory_space<vmem>> -> memref<12288xf32, #tpu.memory_space<vmem>>
      %dma_wait3A_98 = arith.constant 0 : i32
      %dma_wait3A_99 = tpu.memref_slice %arg2[%select_n3A, %dma_wait3A_98] : memref<384x36864xf32, #tpu.memory_space<hbm>> -> memref<1x12288xf32, #tpu.memory_space<hbm>>
      %dma_wait3A_100 = tpu.memref_squeeze %dma_wait3A_99 : memref<1x12288xf32, #tpu.memory_space<hbm>> -> memref<12288xf32, #tpu.memory_space<hbm>>
      tpu.wait_dma2 semaphore(%arg9 : memref<!tpu.dma_semaphore, #tpu.memory_space<semaphore_mem>>) src(%dma_wait3A_100 : memref<12288xf32, #tpu.memory_space<hbm>>) dst(%dma_wait3A_97 : memref<12288xf32, #tpu.memory_space<vmem>>)
      %dma_start3A_101 = arith.constant 1 : i32
      %dma_start3A_102 = arith.constant 0 : i32
      %dma_start3A_103 = tpu.memref_slice %arg6[%dma_start3A_101, %dma_start3A_102] : memref<2x12288xi32, #tpu.memory_space<vmem>> -> memref<1x12288xi32, #tpu.memory_space<vmem>>
      %dma_start3A_104 = tpu.memref_squeeze %dma_start3A_103 : memref<1x12288xi32, #tpu.memory_space<vmem>> -> memref<12288xi32, #tpu.memory_space<vmem>>
      %dma_start3A_105 = arith.constant 12288 : i32
      %dma_start3A_106 = tpu.memref_slice %arg3[%select_n3A, %dma_start3A_105] : memref<384x36864xi32, #tpu.memory_space<hbm>> -> memref<1x12288xi32, #tpu.memory_space<hbm>>
      %dma_start3A_107 = tpu.memref_squeeze %dma_start3A_106 : memref<1x12288xi32, #tpu.memory_space<hbm>> -> memref<12288xi32, #tpu.memory_space<hbm>>
      %dma_start3A_108 = arith.constant 0 : i32
      %dma_start3A_109 = tpu.memref_slice %arg6[%dma_start3A_101, %dma_start3A_108] : memref<2x12288xi32, #tpu.memory_space<vmem>> -> memref<1x12288xi32, #tpu.memory_space<vmem>>
      %dma_start3A_110 = tpu.memref_squeeze %dma_start3A_109 : memref<1x12288xi32, #tpu.memory_space<vmem>> -> memref<12288xi32, #tpu.memory_space<vmem>>
      %dma_start3A_111 = arith.constant 12288 : i32
      %dma_start3A_112 = tpu.memref_slice %arg3[%select_n3A, %dma_start3A_111] : memref<384x36864xi32, #tpu.memory_space<hbm>> -> memref<1x12288xi32, #tpu.memory_space<hbm>>
      %dma_start3A_113 = tpu.memref_squeeze %dma_start3A_112 : memref<1x12288xi32, #tpu.memory_space<hbm>> -> memref<12288xi32, #tpu.memory_space<hbm>>
      tpu.enqueue_dma source(%dma_start3A_113 : memref<12288xi32, #tpu.memory_space<hbm>>) target(%dma_start3A_110 : memref<12288xi32, #tpu.memory_space<vmem>>) target_semaphore(%arg10 : memref<!tpu.dma_semaphore, #tpu.memory_space<semaphore_mem>>)
      %dma_start3A_114 = arith.constant 1 : i32
      %dma_start3A_115 = arith.constant 0 : i32
      %dma_start3A_116 = tpu.memref_slice %arg7[%dma_start3A_114, %dma_start3A_115] : memref<2x12288xf32, #tpu.memory_space<vmem>> -> memref<1x12288xf32, #tpu.memory_space<vmem>>
      %dma_start3A_117 = tpu.memref_squeeze %dma_start3A_116 : memref<1x12288xf32, #tpu.memory_space<vmem>> -> memref<12288xf32, #tpu.memory_space<vmem>>
      %dma_start3A_118 = arith.constant 12288 : i32
      %dma_start3A_119 = tpu.memref_slice %arg2[%select_n3A, %dma_start3A_118] : memref<384x36864xf32, #tpu.memory_space<hbm>> -> memref<1x12288xf32, #tpu.memory_space<hbm>>
      %dma_start3A_120 = tpu.memref_squeeze %dma_start3A_119 : memref<1x12288xf32, #tpu.memory_space<hbm>> -> memref<12288xf32, #tpu.memory_space<hbm>>
      %dma_start3A_121 = arith.constant 0 : i32
      %dma_start3A_122 = tpu.memref_slice %arg7[%dma_start3A_114, %dma_start3A_121] : memref<2x12288xf32, #tpu.memory_space<vmem>> -> memref<1x12288xf32, #tpu.memory_space<vmem>>
      %dma_start3A_123 = tpu.memref_squeeze %dma_start3A_122 : memref<1x12288xf32, #tpu.memory_space<vmem>> -> memref<12288xf32, #tpu.memory_space<vmem>>
      %dma_start3A_124 = arith.constant 12288 : i32
      %dma_start3A_125 = tpu.memref_slice %arg2[%select_n3A, %dma_start3A_124] : memref<384x36864xf32, #tpu.memory_space<hbm>> -> memref<1x12288xf32, #tpu.memory_space<hbm>>
      %dma_start3A_126 = tpu.memref_squeeze %dma_start3A_125 : memref<1x12288xf32, #tpu.memory_space<hbm>> -> memref<12288xf32, #tpu.memory_space<hbm>>
      tpu.enqueue_dma source(%dma_start3A_126 : memref<12288xf32, #tpu.memory_space<hbm>>) target(%dma_start3A_123 : memref<12288xf32, #tpu.memory_space<vmem>>) target_semaphore(%arg10 : memref<!tpu.dma_semaphore, #tpu.memory_space<semaphore_mem>>)
      %parallel_loop3A_127 = arith.constant 0 : i32
      %parallel_loop3A_128 = arith.constant 12288 : i32
      %parallel_loop3A_129 = arith.constant 16 : i32
      scf.for %parallel_loop3A_218 = %parallel_loop3A_127 to %parallel_loop3A_128 step %parallel_loop3A_129  : i32 {
        %parallel_loop3A_219 = arith.constant 0 : i32
        %parallel_loop3A_220 = arith.index_cast %parallel_loop3A_219 : i32 to index
        %parallel_loop3A_221 = arith.index_cast %parallel_loop3A_218 : i32 to index
        %parallel_loop3A_222 = tpu.vector_load %arg6[%parallel_loop3A_220, %parallel_loop3A_221] {strides = array<i32>} : memref<2x12288xi32, #tpu.memory_space<vmem>>, vector<16xi32>,
        %parallel_loop3A_223 = arith.constant 0 : i32
        %parallel_loop3A_224 = arith.index_cast %parallel_loop3A_223 : i32 to index
        %parallel_loop3A_225 = arith.index_cast %parallel_loop3A_218 : i32 to index
        %parallel_loop3A_226 = tpu.vector_load %arg7[%parallel_loop3A_224, %parallel_loop3A_225] {strides = array<i32>} : memref<2x12288xf32, #tpu.memory_space<vmem>>, vector<16xf32>,
        %parallel_loop3A_227 = vector.broadcast %mul3A_45 : i32 to vector<16xi32>
        %parallel_loop3A_228 = arith.subi %parallel_loop3A_222, %parallel_loop3A_227 : vector<16xi32>
        %parallel_loop3A_229 = vector.bitcast %parallel_loop3A_228 : vector<16xi32> to vector<16xi32>
        %parallel_loop3A_230 = arith.constant 73728 : i32
        %parallel_loop3A_231 = vector.broadcast %parallel_loop3A_230 : i32 to vector<16xi32>
        %parallel_loop3A_232 = arith.cmpi ult, %parallel_loop3A_229, %parallel_loop3A_231 : vector<16xi32>
        tpu.vector_store_idx %arg5[%parallel_loop3A_228], %parallel_loop3A_226 masked %parallel_loop3A_232 : memref<73728xf32, #tpu.memory_space<vmem>>[vector<16xi32>], vector<16xf32>, vector<16xi1>
      } {sc.loop_unroll_factor = 16 : i64, sc.parallel_access}
      %dma_wait3A_130 = arith.constant 1 : i32
      %dma_wait3A_131 = arith.constant 0 : i32
      %dma_wait3A_132 = tpu.memref_slice %arg6[%dma_wait3A_130, %dma_wait3A_131] : memref<2x12288xi32, #tpu.memory_space<vmem>> -> memref<1x12288xi32, #tpu.memory_space<vmem>>
      %dma_wait3A_133 = tpu.memref_squeeze %dma_wait3A_132 : memref<1x12288xi32, #tpu.memory_space<vmem>> -> memref<12288xi32, #tpu.memory_space<vmem>>
      %dma_wait3A_134 = arith.constant 12288 : i32
      %dma_wait3A_135 = tpu.memref_slice %arg3[%select_n3A, %dma_wait3A_134] : memref<384x36864xi32, #tpu.memory_space<hbm>> -> memref<1x12288xi32, #tpu.memory_space<hbm>>
      %dma_wait3A_136 = tpu.memref_squeeze %dma_wait3A_135 : memref<1x12288xi32, #tpu.memory_space<hbm>> -> memref<12288xi32, #tpu.memory_space<hbm>>
      %dma_wait3A_137 = arith.constant 0 : i32
      %dma_wait3A_138 = tpu.memref_slice %arg6[%dma_wait3A_130, %dma_wait3A_137] : memref<2x12288xi32, #tpu.memory_space<vmem>> -> memref<1x12288xi32, #tpu.memory_space<vmem>>
      %dma_wait3A_139 = tpu.memref_squeeze %dma_wait3A_138 : memref<1x12288xi32, #tpu.memory_space<vmem>> -> memref<12288xi32, #tpu.memory_space<vmem>>
      %dma_wait3A_140 = arith.constant 12288 : i32
      %dma_wait3A_141 = tpu.memref_slice %arg3[%select_n3A, %dma_wait3A_140] : memref<384x36864xi32, #tpu.memory_space<hbm>> -> memref<1x12288xi32, #tpu.memory_space<hbm>>
      %dma_wait3A_142 = tpu.memref_squeeze %dma_wait3A_141 : memref<1x12288xi32, #tpu.memory_space<hbm>> -> memref<12288xi32, #tpu.memory_space<hbm>>
      tpu.wait_dma2 semaphore(%arg10 : memref<!tpu.dma_semaphore, #tpu.memory_space<semaphore_mem>>) src(%dma_wait3A_142 : memref<12288xi32, #tpu.memory_space<hbm>>) dst(%dma_wait3A_139 : memref<12288xi32, #tpu.memory_space<vmem>>)
      %dma_wait3A_143 = arith.constant 1 : i32
      %dma_wait3A_144 = arith.constant 0 : i32
      %dma_wait3A_145 = tpu.memref_slice %arg7[%dma_wait3A_143, %dma_wait3A_144] : memref<2x12288xf32, #tpu.memory_space<vmem>> -> memref<1x12288xf32, #tpu.memory_space<vmem>>
      %dma_wait3A_146 = tpu.memref_squeeze %dma_wait3A_145 : memref<1x12288xf32, #tpu.memory_space<vmem>> -> memref<12288xf32, #tpu.memory_space<vmem>>
      %dma_wait3A_147 = arith.constant 12288 : i32
      %dma_wait3A_148 = tpu.memref_slice %arg2[%select_n3A, %dma_wait3A_147] : memref<384x36864xf32, #tpu.memory_space<hbm>> -> memref<1x12288xf32, #tpu.memory_space<hbm>>
      %dma_wait3A_149 = tpu.memref_squeeze %dma_wait3A_148 : memref<1x12288xf32, #tpu.memory_space<hbm>> -> memref<12288xf32, #tpu.memory_space<hbm>>
      %dma_wait3A_150 = arith.constant 0 : i32
      %dma_wait3A_151 = tpu.memref_slice %arg7[%dma_wait3A_143, %dma_wait3A_150] : memref<2x12288xf32, #tpu.memory_space<vmem>> -> memref<1x12288xf32, #tpu.memory_space<vmem>>
      %dma_wait3A_152 = tpu.memref_squeeze %dma_wait3A_151 : memref<1x12288xf32, #tpu.memory_space<vmem>> -> memref<12288xf32, #tpu.memory_space<vmem>>
      %dma_wait3A_153 = arith.constant 12288 : i32
      %dma_wait3A_154 = tpu.memref_slice %arg2[%select_n3A, %dma_wait3A_153] : memref<384x36864xf32, #tpu.memory_space<hbm>> -> memref<1x12288xf32, #tpu.memory_space<hbm>>
      %dma_wait3A_155 = tpu.memref_squeeze %dma_wait3A_154 : memref<1x12288xf32, #tpu.memory_space<hbm>> -> memref<12288xf32, #tpu.memory_space<hbm>>
      tpu.wait_dma2 semaphore(%arg10 : memref<!tpu.dma_semaphore, #tpu.memory_space<semaphore_mem>>) src(%dma_wait3A_155 : memref<12288xf32, #tpu.memory_space<hbm>>) dst(%dma_wait3A_152 : memref<12288xf32, #tpu.memory_space<vmem>>)
      %dma_start3A_156 = arith.constant 0 : i32
      %dma_start3A_157 = arith.constant 0 : i32
      %dma_start3A_158 = tpu.memref_slice %arg6[%dma_start3A_156, %dma_start3A_157] : memref<2x12288xi32, #tpu.memory_space<vmem>> -> memref<1x12288xi32, #tpu.memory_space<vmem>>
      %dma_start3A_159 = tpu.memref_squeeze %dma_start3A_158 : memref<1x12288xi32, #tpu.memory_space<vmem>> -> memref<12288xi32, #tpu.memory_space<vmem>>
      %dma_start3A_160 = arith.constant 24576 : i32
      %dma_start3A_161 = tpu.memref_slice %arg3[%select_n3A, %dma_start3A_160] : memref<384x36864xi32, #tpu.memory_space<hbm>> -> memref<1x12288xi32, #tpu.memory_space<hbm>>
      %dma_start3A_162 = tpu.memref_squeeze %dma_start3A_161 : memref<1x12288xi32, #tpu.memory_space<hbm>> -> memref<12288xi32, #tpu.memory_space<hbm>>
      %dma_start3A_163 = arith.constant 0 : i32
      %dma_start3A_164 = tpu.memref_slice %arg6[%dma_start3A_156, %dma_start3A_163] : memref<2x12288xi32, #tpu.memory_space<vmem>> -> memref<1x12288xi32, #tpu.memory_space<vmem>>
      %dma_start3A_165 = tpu.memref_squeeze %dma_start3A_164 : memref<1x12288xi32, #tpu.memory_space<vmem>> -> memref<12288xi32, #tpu.memory_space<vmem>>
      %dma_start3A_166 = arith.constant 24576 : i32
      %dma_start3A_167 = tpu.memref_slice %arg3[%select_n3A, %dma_start3A_166] : memref<384x36864xi32, #tpu.memory_space<hbm>> -> memref<1x12288xi32, #tpu.memory_space<hbm>>
      %dma_start3A_168 = tpu.memref_squeeze %dma_start3A_167 : memref<1x12288xi32, #tpu.memory_space<hbm>> -> memref<12288xi32, #tpu.memory_space<hbm>>
      tpu.enqueue_dma source(%dma_start3A_168 : memref<12288xi32, #tpu.memory_space<hbm>>) target(%dma_start3A_165 : memref<12288xi32, #tpu.memory_space<vmem>>) target_semaphore(%arg9 : memref<!tpu.dma_semaphore, #tpu.memory_space<semaphore_mem>>)
      %dma_start3A_169 = arith.constant 0 : i32
      %dma_start3A_170 = arith.constant 0 : i32
      %dma_start3A_171 = tpu.memref_slice %arg7[%dma_start3A_169, %dma_start3A_170] : memref<2x12288xf32, #tpu.memory_space<vmem>> -> memref<1x12288xf32, #tpu.memory_space<vmem>>
      %dma_start3A_172 = tpu.memref_squeeze %dma_start3A_171 : memref<1x12288xf32, #tpu.memory_space<vmem>> -> memref<12288xf32, #tpu.memory_space<vmem>>
      %dma_start3A_173 = arith.constant 24576 : i32
      %dma_start3A_174 = tpu.memref_slice %arg2[%select_n3A, %dma_start3A_173] : memref<384x36864xf32, #tpu.memory_space<hbm>> -> memref<1x12288xf32, #tpu.memory_space<hbm>>
      %dma_start3A_175 = tpu.memref_squeeze %dma_start3A_174 : memref<1x12288xf32, #tpu.memory_space<hbm>> -> memref<12288xf32, #tpu.memory_space<hbm>>
      %dma_start3A_176 = arith.constant 0 : i32
      %dma_start3A_177 = tpu.memref_slice %arg7[%dma_start3A_169, %dma_start3A_176] : memref<2x12288xf32, #tpu.memory_space<vmem>> -> memref<1x12288xf32, #tpu.memory_space<vmem>>
      %dma_start3A_178 = tpu.memref_squeeze %dma_start3A_177 : memref<1x12288xf32, #tpu.memory_space<vmem>> -> memref<12288xf32, #tpu.memory_space<vmem>>
      %dma_start3A_179 = arith.constant 24576 : i32
      %dma_start3A_180 = tpu.memref_slice %arg2[%select_n3A, %dma_start3A_179] : memref<384x36864xf32, #tpu.memory_space<hbm>> -> memref<1x12288xf32, #tpu.memory_space<hbm>>
      %dma_start3A_181 = tpu.memref_squeeze %dma_start3A_180 : memref<1x12288xf32, #tpu.memory_space<hbm>> -> memref<12288xf32, #tpu.memory_space<hbm>>
      tpu.enqueue_dma source(%dma_start3A_181 : memref<12288xf32, #tpu.memory_space<hbm>>) target(%dma_start3A_178 : memref<12288xf32, #tpu.memory_space<vmem>>) target_semaphore(%arg9 : memref<!tpu.dma_semaphore, #tpu.memory_space<semaphore_mem>>)
      %parallel_loop3A_182 = arith.constant 0 : i32
      %parallel_loop3A_183 = arith.constant 12288 : i32
      %parallel_loop3A_184 = arith.constant 16 : i32
      scf.for %parallel_loop3A_218 = %parallel_loop3A_182 to %parallel_loop3A_183 step %parallel_loop3A_184  : i32 {
        %parallel_loop3A_219 = arith.constant 1 : i32
        %parallel_loop3A_220 = arith.index_cast %parallel_loop3A_219 : i32 to index
        %parallel_loop3A_221 = arith.index_cast %parallel_loop3A_218 : i32 to index
        %parallel_loop3A_222 = tpu.vector_load %arg6[%parallel_loop3A_220, %parallel_loop3A_221] {strides = array<i32>} : memref<2x12288xi32, #tpu.memory_space<vmem>>, vector<16xi32>,
        %parallel_loop3A_223 = arith.constant 1 : i32
        %parallel_loop3A_224 = arith.index_cast %parallel_loop3A_223 : i32 to index
        %parallel_loop3A_225 = arith.index_cast %parallel_loop3A_218 : i32 to index
        %parallel_loop3A_226 = tpu.vector_load %arg7[%parallel_loop3A_224, %parallel_loop3A_225] {strides = array<i32>} : memref<2x12288xf32, #tpu.memory_space<vmem>>, vector<16xf32>,
        %parallel_loop3A_227 = vector.broadcast %mul3A_45 : i32 to vector<16xi32>
        %parallel_loop3A_228 = arith.subi %parallel_loop3A_222, %parallel_loop3A_227 : vector<16xi32>
        %parallel_loop3A_229 = vector.bitcast %parallel_loop3A_228 : vector<16xi32> to vector<16xi32>
        %parallel_loop3A_230 = arith.constant 73728 : i32
        %parallel_loop3A_231 = vector.broadcast %parallel_loop3A_230 : i32 to vector<16xi32>
        %parallel_loop3A_232 = arith.cmpi ult, %parallel_loop3A_229, %parallel_loop3A_231 : vector<16xi32>
        tpu.vector_store_idx %arg5[%parallel_loop3A_228], %parallel_loop3A_226 masked %parallel_loop3A_232 : memref<73728xf32, #tpu.memory_space<vmem>>[vector<16xi32>], vector<16xf32>, vector<16xi1>
      } {sc.loop_unroll_factor = 16 : i64, sc.parallel_access}
      %dma_wait3A_185 = arith.constant 0 : i32
      %dma_wait3A_186 = arith.constant 0 : i32
      %dma_wait3A_187 = tpu.memref_slice %arg6[%dma_wait3A_185, %dma_wait3A_186] : memref<2x12288xi32, #tpu.memory_space<vmem>> -> memref<1x12288xi32, #tpu.memory_space<vmem>>
      %dma_wait3A_188 = tpu.memref_squeeze %dma_wait3A_187 : memref<1x12288xi32, #tpu.memory_space<vmem>> -> memref<12288xi32, #tpu.memory_space<vmem>>
      %dma_wait3A_189 = arith.constant 24576 : i32
      %dma_wait3A_190 = tpu.memref_slice %arg3[%select_n3A, %dma_wait3A_189] : memref<384x36864xi32, #tpu.memory_space<hbm>> -> memref<1x12288xi32, #tpu.memory_space<hbm>>
      %dma_wait3A_191 = tpu.memref_squeeze %dma_wait3A_190 : memref<1x12288xi32, #tpu.memory_space<hbm>> -> memref<12288xi32, #tpu.memory_space<hbm>>
      %dma_wait3A_192 = arith.constant 0 : i32
      %dma_wait3A_193 = tpu.memref_slice %arg6[%dma_wait3A_185, %dma_wait3A_192] : memref<2x12288xi32, #tpu.memory_space<vmem>> -> memref<1x12288xi32, #tpu.memory_space<vmem>>
      %dma_wait3A_194 = tpu.memref_squeeze %dma_wait3A_193 : memref<1x12288xi32, #tpu.memory_space<vmem>> -> memref<12288xi32, #tpu.memory_space<vmem>>
      %dma_wait3A_195 = arith.constant 24576 : i32
      %dma_wait3A_196 = tpu.memref_slice %arg3[%select_n3A, %dma_wait3A_195] : memref<384x36864xi32, #tpu.memory_space<hbm>> -> memref<1x12288xi32, #tpu.memory_space<hbm>>
      %dma_wait3A_197 = tpu.memref_squeeze %dma_wait3A_196 : memref<1x12288xi32, #tpu.memory_space<hbm>> -> memref<12288xi32, #tpu.memory_space<hbm>>
      tpu.wait_dma2 semaphore(%arg9 : memref<!tpu.dma_semaphore, #tpu.memory_space<semaphore_mem>>) src(%dma_wait3A_197 : memref<12288xi32, #tpu.memory_space<hbm>>) dst(%dma_wait3A_194 : memref<12288xi32, #tpu.memory_space<vmem>>)
      %dma_wait3A_198 = arith.constant 0 : i32
      %dma_wait3A_199 = arith.constant 0 : i32
      %dma_wait3A_200 = tpu.memref_slice %arg7[%dma_wait3A_198, %dma_wait3A_199] : memref<2x12288xf32, #tpu.memory_space<vmem>> -> memref<1x12288xf32, #tpu.memory_space<vmem>>
      %dma_wait3A_201 = tpu.memref_squeeze %dma_wait3A_200 : memref<1x12288xf32, #tpu.memory_space<vmem>> -> memref<12288xf32, #tpu.memory_space<vmem>>
      %dma_wait3A_202 = arith.constant 24576 : i32
      %dma_wait3A_203 = tpu.memref_slice %arg2[%select_n3A, %dma_wait3A_202] : memref<384x36864xf32, #tpu.memory_space<hbm>> -> memref<1x12288xf32, #tpu.memory_space<hbm>>
      %dma_wait3A_204 = tpu.memref_squeeze %dma_wait3A_203 : memref<1x12288xf32, #tpu.memory_space<hbm>> -> memref<12288xf32, #tpu.memory_space<hbm>>
      %dma_wait3A_205 = arith.constant 0 : i32
      %dma_wait3A_206 = tpu.memref_slice %arg7[%dma_wait3A_198, %dma_wait3A_205] : memref<2x12288xf32, #tpu.memory_space<vmem>> -> memref<1x12288xf32, #tpu.memory_space<vmem>>
      %dma_wait3A_207 = tpu.memref_squeeze %dma_wait3A_206 : memref<1x12288xf32, #tpu.memory_space<vmem>> -> memref<12288xf32, #tpu.memory_space<vmem>>
      %dma_wait3A_208 = arith.constant 24576 : i32
      %dma_wait3A_209 = tpu.memref_slice %arg2[%select_n3A, %dma_wait3A_208] : memref<384x36864xf32, #tpu.memory_space<hbm>> -> memref<1x12288xf32, #tpu.memory_space<hbm>>
      %dma_wait3A_210 = tpu.memref_squeeze %dma_wait3A_209 : memref<1x12288xf32, #tpu.memory_space<hbm>> -> memref<12288xf32, #tpu.memory_space<hbm>>
      tpu.wait_dma2 semaphore(%arg9 : memref<!tpu.dma_semaphore, #tpu.memory_space<semaphore_mem>>) src(%dma_wait3A_210 : memref<12288xf32, #tpu.memory_space<hbm>>) dst(%dma_wait3A_207 : memref<12288xf32, #tpu.memory_space<vmem>>)
      %parallel_loop3A_211 = arith.constant 0 : i32
      %parallel_loop3A_212 = arith.constant 12288 : i32
      %parallel_loop3A_213 = arith.constant 16 : i32
      scf.for %parallel_loop3A_218 = %parallel_loop3A_211 to %parallel_loop3A_212 step %parallel_loop3A_213  : i32 {
        %parallel_loop3A_219 = arith.constant 0 : i32
        %parallel_loop3A_220 = arith.index_cast %parallel_loop3A_219 : i32 to index
        %parallel_loop3A_221 = arith.index_cast %parallel_loop3A_218 : i32 to index
        %parallel_loop3A_222 = tpu.vector_load %arg6[%parallel_loop3A_220, %parallel_loop3A_221] {strides = array<i32>} : memref<2x12288xi32, #tpu.memory_space<vmem>>, vector<16xi32>,
        %parallel_loop3A_223 = arith.constant 0 : i32
        %parallel_loop3A_224 = arith.index_cast %parallel_loop3A_223 : i32 to index
        %parallel_loop3A_225 = arith.index_cast %parallel_loop3A_218 : i32 to index
        %parallel_loop3A_226 = tpu.vector_load %arg7[%parallel_loop3A_224, %parallel_loop3A_225] {strides = array<i32>} : memref<2x12288xf32, #tpu.memory_space<vmem>>, vector<16xf32>,
        %parallel_loop3A_227 = vector.broadcast %mul3A_45 : i32 to vector<16xi32>
        %parallel_loop3A_228 = arith.subi %parallel_loop3A_222, %parallel_loop3A_227 : vector<16xi32>
        %parallel_loop3A_229 = vector.bitcast %parallel_loop3A_228 : vector<16xi32> to vector<16xi32>
        %parallel_loop3A_230 = arith.constant 73728 : i32
        %parallel_loop3A_231 = vector.broadcast %parallel_loop3A_230 : i32 to vector<16xi32>
        %parallel_loop3A_232 = arith.cmpi ult, %parallel_loop3A_229, %parallel_loop3A_231 : vector<16xi32>
        tpu.vector_store_idx %arg5[%parallel_loop3A_228], %parallel_loop3A_226 masked %parallel_loop3A_232 : memref<73728xf32, #tpu.memory_space<vmem>>[vector<16xi32>], vector<16xf32>, vector<16xi1>
      } {sc.loop_unroll_factor = 16 : i64, sc.parallel_access}
      "tpu.region"() ({
        %run_scoped3A = tpu.sem_alloc : memref<!tpu.dma_semaphore, #tpu.memory_space<semaphore_mem>>
        %dma_start3A_218 = arith.constant 0 : i32
        %dma_start3A_219 = tpu.memref_slice %arg5[%dma_start3A_218] : memref<73728xf32, #tpu.memory_space<vmem>> -> memref<36864xf32, #tpu.memory_space<vmem>>
        %dma_start3A_220 = arith.constant 0 : i32
        %dma_start3A_221 = tpu.memref_slice %arg5[%dma_start3A_220] : memref<73728xf32, #tpu.memory_space<vmem>> -> memref<36864xf32, #tpu.memory_space<vmem>>
        tpu.enqueue_dma source(%dma_start3A_221 : memref<36864xf32, #tpu.memory_space<vmem>>) target(%arg8 : memref<36864xf32, #tpu.memory_space<vmem_shared>>) target_semaphore(%run_scoped3A : memref<!tpu.dma_semaphore, #tpu.memory_space<semaphore_mem>>)
        %dma_wait3A_222 = arith.constant 0 : i32
        %dma_wait3A_223 = tpu.memref_slice %arg5[%dma_wait3A_222] : memref<73728xf32, #tpu.memory_space<vmem>> -> memref<36864xf32, #tpu.memory_space<vmem>>
        %dma_wait3A_224 = arith.constant 0 : i32
        %dma_wait3A_225 = tpu.memref_slice %arg5[%dma_wait3A_224] : memref<73728xf32, #tpu.memory_space<vmem>> -> memref<36864xf32, #tpu.memory_space<vmem>>
        tpu.wait_dma2 semaphore(%run_scoped3A : memref<!tpu.dma_semaphore, #tpu.memory_space<semaphore_mem>>) src(%dma_wait3A_225 : memref<36864xf32, #tpu.memory_space<vmem>>) dst(%arg8 : memref<36864xf32, #tpu.memory_space<vmem_shared>>)
        tpu.yield
      }) : () -> ()
      %dma_start3A_214 = tpu.memref_slice %arg4[%select_n3A, %mul3A_45] : memref<384x147456xf32, #tpu.memory_space<hbm>> -> memref<1x36864xf32, #tpu.memory_space<hbm>>
      %dma_start3A_215 = tpu.memref_squeeze %dma_start3A_214 : memref<1x36864xf32, #tpu.memory_space<hbm>> -> memref<36864xf32, #tpu.memory_space<hbm>>
      tpu.enqueue_dma source(%arg8 : memref<36864xf32, #tpu.memory_space<vmem_shared>>) target(%dma_start3A_215 : memref<36864xf32, #tpu.memory_space<hbm>>) target_semaphore(%arg11 : memref<!tpu.dma_semaphore, #tpu.memory_space<semaphore_mem>>)
      %add3A_216 = arith.constant 36864 : i32
      %add3A_217 = arith.addi %mul3A_45, %add3A_216 : i32
      "tpu.region"() ({
        %run_scoped3A = tpu.sem_alloc : memref<!tpu.dma_semaphore, #tpu.memory_space<semaphore_mem>>
        %dma_start3A_218 = arith.constant 36864 : i32
        %dma_start3A_219 = tpu.memref_slice %arg5[%dma_start3A_218] : memref<73728xf32, #tpu.memory_space<vmem>> -> memref<36864xf32, #tpu.memory_space<vmem>>
        %dma_start3A_220 = tpu.memref_slice %arg4[%select_n3A, %add3A_217] : memref<384x147456xf32, #tpu.memory_space<hbm>> -> memref<1x36864xf32, #tpu.memory_space<hbm>>
        %dma_start3A_221 = tpu.memref_squeeze %dma_start3A_220 : memref<1x36864xf32, #tpu.memory_space<hbm>> -> memref<36864xf32, #tpu.memory_space<hbm>>
        %dma_start3A_222 = tpu.memref_slice %arg4[%select_n3A, %add3A_217] : memref<384x147456xf32, #tpu.memory_space<hbm>> -> memref<1x36864xf32, #tpu.memory_space<hbm>>
        %dma_start3A_223 = tpu.memref_squeeze %dma_start3A_222 : memref<1x36864xf32, #tpu.memory_space<hbm>> -> memref<36864xf32, #tpu.memory_space<hbm>>
        %dma_start3A_224 = arith.constant 36864 : i32
        %dma_start3A_225 = tpu.memref_slice %arg5[%dma_start3A_224] : memref<73728xf32, #tpu.memory_space<vmem>> -> memref<36864xf32, #tpu.memory_space<vmem>>
        tpu.enqueue_dma source(%dma_start3A_225 : memref<36864xf32, #tpu.memory_space<vmem>>) target(%dma_start3A_223 : memref<36864xf32, #tpu.memory_space<hbm>>) target_semaphore(%run_scoped3A : memref<!tpu.dma_semaphore, #tpu.memory_space<semaphore_mem>>)
        %dma_wait3A_226 = arith.constant 36864 : i32
        %dma_wait3A_227 = tpu.memref_slice %arg5[%dma_wait3A_226] : memref<73728xf32, #tpu.memory_space<vmem>> -> memref<36864xf32, #tpu.memory_space<vmem>>
        %dma_wait3A_228 = tpu.memref_slice %arg4[%select_n3A, %add3A_217] : memref<384x147456xf32, #tpu.memory_space<hbm>> -> memref<1x36864xf32, #tpu.memory_space<hbm>>
        %dma_wait3A_229 = tpu.memref_squeeze %dma_wait3A_228 : memref<1x36864xf32, #tpu.memory_space<hbm>> -> memref<36864xf32, #tpu.memory_space<hbm>>
        %dma_wait3A_230 = tpu.memref_slice %arg4[%select_n3A, %add3A_217] : memref<384x147456xf32, #tpu.memory_space<hbm>> -> memref<1x36864xf32, #tpu.memory_space<hbm>>
        %dma_wait3A_231 = tpu.memref_squeeze %dma_wait3A_230 : memref<1x36864xf32, #tpu.memory_space<hbm>> -> memref<36864xf32, #tpu.memory_space<hbm>>
        %dma_wait3A_232 = arith.constant 36864 : i32
        %dma_wait3A_233 = tpu.memref_slice %arg5[%dma_wait3A_232] : memref<73728xf32, #tpu.memory_space<vmem>> -> memref<36864xf32, #tpu.memory_space<vmem>>
        tpu.wait_dma2 semaphore(%run_scoped3A : memref<!tpu.dma_semaphore, #tpu.memory_space<semaphore_mem>>) src(%dma_wait3A_233 : memref<36864xf32, #tpu.memory_space<vmem>>) dst(%dma_wait3A_231 : memref<36864xf32, #tpu.memory_space<hbm>>)
        tpu.yield
      }) : () -> ()
    }
    %scan3A_6 = arith.constant 24 : i32
    %dma_wait3A = arith.constant 0 : i32
    %dma_wait3A_7 = arith.constant 0 : i32
    %dma_wait3A_8 = tpu.memref_slice %arg4[%dma_wait3A, %dma_wait3A_7] : memref<384x147456xf32, #tpu.memory_space<hbm>> -> memref<1x36864xf32, #tpu.memory_space<hbm>>
    %dma_wait3A_9 = tpu.memref_squeeze %dma_wait3A_8 : memref<1x36864xf32, #tpu.memory_space<hbm>> -> memref<36864xf32, #tpu.memory_space<hbm>>
    tpu.wait_dma2 semaphore(%arg11 : memref<!tpu.dma_semaphore, #tpu.memory_space<semaphore_mem>>) src(%dma_wait3A_9 : memref<36864xf32, #tpu.memory_space<hbm>>) dst(%arg8 : memref<36864xf32, #tpu.memory_space<vmem_shared>>)
    return
  }
}

</mosaic_0001>

<sc_bundles>
// kernel: _unpool.3.cloned.1.call-start
scs
__scs_entry_jumppad:
0x0: {  	(pc) =	sbr.rel $0x88, $3  }
0x1: {  	(tag) =	ssettag $0x0;
	lr =	simm.s32 $0x1  }
0x2: {  	[smem:$0x3F9F] =	sst lr;
	_ =	strace $0xD0000000  }
0x3: {  	_ = 	snop  }
0x4: {  	_ = 	snop  }
0x5: {  	_ = 	snop  }
0x6: {  	_ = 	snop  }
0x7: {  	_ = 	snop  }
__scs_overlays_trampoline_lowered:
0x8: {  	[smem:$0x3FAE] =	sst s0  }
0x9: {  	[smem:$0x3FAF] =	sst s1  }
0xa: {  	[smem:$0x3FB0] =	sst s2  }
0xb: {  	[smem:$0x3FB1] =	sst s3  }
0xc: {  	[smem:$0x3FB2] =	sst s4  }
0xd: {  	[smem:$0x3FB3] =	sst s5  }
0xe: {  	[smem:$0x3FB4] =	sst s6  }
0xf: {  	[smem:$0x3FB5] =	sst s7  }
0x10: {  	[smem:$0x3FB6] =	sst s8  }
0x11: {  	[smem:$0x3FB7] =	sst s9;
	s0 =	simm.s32 @!p0 $0x0  }
0x12: {  	s1 =	sld [smem:$0x3F9D];
	s0 =	simm.s32 @p0 $0x1  }
0x13: {  	[smem:$0x3FB8] =	sst s0;
	s0 =	simm.s32 @!p1 $0x0  }
0x14: {  	s2 =	sld [smem:$0x3F9C];
	s0 =	simm.s32 @p1 $0x1  }
0x15: {  	[smem:$0x3FB9] =	sst s0;
	s0 =	simm.s32 @!p2 $0x0  }
0x16: {  	s3 =	sld [smem:$0x3FDB];
	s0 =	simm.s32 @p2 $0x1  }
0x17: {  	s4 =	simm.s32 $0x1BF5;
	[smem:$0x3FBB] =	sst s0  }
0x18: {  	s0 =	sld [smem:$0x3F9E];
	_ =	swait.ge [sflag:s4], $0x0  }
0x19: {  	s7 =	sld [smem:$0x3F9F]  }
0x1a: {  	s8 =	sadd.s32 $0xFFFFE003, lr  }
0x1b: {  	s9 =	sadd.s32 $0xFFFFFEF7, lr;
	s5 =	simm.s32 $0xFFFFFFFF;
	p2 =	slt.u32 s8, $0xFFFFF086  }
0x1c: {  	p1 =	slt.u32 s9, $0xF7A;
	s5 =	simm.s32 @!p2 $0x0  }
0x1d: {  	s5 =	simm.s32 @p1 $0x1;
	p0 =	seq.s32 s7, s2  }
0x1e: {  	s7 =	smul.u32 @!p0 $0xF7A, s2;
	p2 =	seq.s32 @!p0 s5, $0x0  }
0x1f: {  	s9 =	smul.u32 $0xF7A, s1;
	s8 =	simm.s32 @!p0 $0x1BF5;
	p2 =	por !p2, p0  }
0x20: {  	[sflag:s8] =	ssyncset.s32 @!p0 $0xFFFFF086;
	s6 =	sadd.s32 @!p0 s3, s7;
	s7 =	simm.s32 @!p0 $0x108  }
0x21: {  	s3 =	sadd.s32 s3, s9;
	s6 =	sadd.s32 @!p0 $0x88, s6;
	s7 =	simm.s32 @p2 $0x1082  }
0x22: {  	[simem:s7], [sflag:s8] =	dma.local @!p0 [hbm:s6], $0xF7A  }
0x23: {  	s9 =	sor.u32 $0xD0000000, s2;
	s6 =	simm.s32 $0x108;
	_ =	swait.ge @!p0 [sflag:s8], $0x0  }
0x24: {  	s3 =	sadd.s32 $0x88, s3;
	s6 =	simm.s32 @!p1 $0x1082;
	[sflag:s4] =	ssyncset.s32 $0xFFFFF086  }
0x25: {  	[simem:s6], [sflag:s4] =	dma.local [hbm:s3], $0xF7A  }
0x26: {  	[smem:$0x3F9F] =	sst s1;
	(tag) =	ssettag s2;
	_ =	strace s9  }
0x27: {  	s1 =	sld [smem:$0x3FAF]  }
0x28: {  	s2 =	sld [smem:$0x3FB0]  }
0x29: {  	s4 =	sld [smem:$0x3FB2]  }
0x2a: {  	p0 =	seq.s32 s5, $0x0;
	s5 =	sld [smem:$0x3FB3]  }
0x2b: {  	s6 =	sld [smem:$0x3FB4]  }
0x2c: {  	s7 =	sld [smem:$0x3FB5]  }
0x2d: {  	s3 =	simm.s32 $0x108;
	s8 =	sld [smem:$0x3FB6]  }
0x2e: {  	s3 =	simm.s32 @!p0 $0x1082;
	s9 =	sld [smem:$0x3FB7]  }
0x2f: {  	lr =	sadd.s32 s0, s3;
	s0 =	sld [smem:$0x3FAE]  }
0x30: {  	s3 =	sld [smem:$0x3FB1]  }
0x31: {  	[smem:$0x3FBA] =	sst s10  }
0x32: {  	s10 =	sld [smem:$0x3FB8];
	_ =	sdelay $0x3  }
0x33: {  	p0 =	seq.s32 s10, $0x1;
	s10 =	sld [smem:$0x3FBA];
	_ =	sdelay $0x3  }
0x34: {  	[smem:$0x3FBA] =	sst s10  }
0x35: {  	s10 =	sld [smem:$0x3FB9];
	_ =	sdelay $0x3  }
0x36: {  	p1 =	seq.s32 s10, $0x1;
	s10 =	sld [smem:$0x3FBA];
	_ =	sdelay $0x3  }
0x37: {  	[smem:$0x3FBA] =	sst s10  }
0x38: {  	s10 =	sld [smem:$0x3FBB]  }
0x39: {  	_ = 	snop;
	(pc) =	sbr.ind lr, $3  }
0x3a: {  	_ = 	snop  }
0x3b: {  	_ = 	snop  }
0x3c: {  	p2 =	seq.s32 s10, $0x1;
	s10 =	sld [smem:$0x3FBA]  }
0x3d: {  	_ =	shalt  }
0x3e: {  	_ =	shalt  }
0x3f: {  	_ =	shalt  }
0x40: {  	_ =	shalt  }
0x41: {  	_ =	shalt  }
0x42: {  	_ =	shalt  }
0x43: {  	_ =	shalt  }
0x44: {  	_ =	shalt  }
0x45: {  	_ =	shalt  }
0x46: {  	_ =	shalt  }
0x47: {  	_ =	shalt  }
0x48: {  	_ =	shalt  }
0x49: {  	_ =	shalt  }
0x4a: {  	_ =	shalt  }
0x4b: {  	_ =	shalt  }
0x4c: {  	_ =	shalt  }
0x4d: {  	_ =	shalt  }
0x4e: {  	_ =	shalt  }
0x4f: {  	_ =	shalt  }
0x50: {  	_ =	shalt  }
0x51: {  	_ =	shalt  }
0x52: {  	_ =	shalt  }
0x53: {  	_ =	shalt  }
0x54: {  	_ =	shalt  }
0x55: {  	_ =	shalt  }
0x56: {  	_ =	shalt  }
0x57: {  	_ =	shalt  }
0x58: {  	_ =	shalt  }
0x59: {  	_ =	shalt  }
0x5a: {  	_ =	shalt  }
0x5b: {  	_ =	shalt  }
0x5c: {  	_ =	shalt  }
0x5d: {  	_ =	shalt  }
0x5e: {  	_ =	shalt  }
0x5f: {  	_ =	shalt  }
0x60: {  	_ =	shalt  }
0x61: {  	_ =	shalt  }
0x62: {  	_ =	shalt  }
0x63: {  	_ =	shalt  }
0x64: {  	_ =	shalt  }
0x65: {  	_ =	shalt  }
0x66: {  	_ =	shalt  }
0x67: {  	_ =	shalt  }
0x68: {  	_ =	shalt  }
0x69: {  	_ =	shalt  }
0x6a: {  	_ =	shalt  }
0x6b: {  	_ =	shalt  }
0x6c: {  	_ =	shalt  }
0x6d: {  	_ =	shalt  }
0x6e: {  	_ =	shalt  }
0x6f: {  	_ =	shalt  }
0x70: {  	_ =	shalt  }
0x71: {  	_ =	shalt  }
0x72: {  	_ =	shalt  }
0x73: {  	_ =	shalt  }
0x74: {  	_ =	shalt  }
0x75: {  	_ =	shalt  }
0x76: {  	_ =	shalt  }
0x77: {  	_ =	shalt  }
0x78: {  	_ =	shalt  }
0x79: {  	_ =	shalt  }
0x7a: {  	_ =	shalt  }
0x7b: {  	_ =	shalt  }
0x7c: {  	_ =	shalt  }
0x7d: {  	_ =	shalt  }
0x7e: {  	_ =	shalt  }
0x7f: {  	_ =	shalt  }
0x80: {  	_ =	shalt  }
0x81: {  	_ =	shalt  }
0x82: {  	_ =	shalt  }
0x83: {  	_ =	shalt  }
0x84: {  	_ =	shalt  }
0x85: {  	_ =	shalt  }
0x86: {  	_ =	shalt  }
0x87: {  	_ =	shalt  }
.Lfunc_end0:
.L_simem_size_0:
called_computation.2_lowered:
.L_overlay_start_0:
0x88: {  	s2 =	sld [smem:$0x3FD9]  }
0x89: {  	s3 =	sld [smem:$0x3FFE];
	_ =	sdelay $0x1  }
0x8a: {  	s1 =	srdreg.scid  }
0x8b: {  	s0 =	sand.u32 $0x1, s1  }
0x8c: {  	s17 =	sshll.u32 s0, $0xA;
	s2 =	sadd.s32 s3, s2  }
0x8d: {  	s2 =	sadd.s32 s2, s17  }
0x8e: {  	[smem:$0x3FC6] =	sst s2  }
0x8f: {  	_ = 	snop  }
0x90: {  	s2 =	sld [smem:$0x3FD0];
	(tm) =	ssettm $0x1  }
0x91: {  	s18 =	sld [smem:$0x3FFB];
	_ =	sdelay $0x3  }
0x92: {  	_ =	strace s18  }
0x93: {  	s3 =	sld [smem:$0x3FFC];
	_ =	sdelay $0x3  }
0x94: {  	_ =	strace s3  }
0x95: {  	s3 =	sld [smem:$0x3FFD];
	_ =	sdelay $0x3  }
0x96: {  	_ =	strace s3  }
0x97: {  	_ =	strace $0x8FFFFFFF  }
0x98: {  	s19 =	sld [smem:$0x3FDB];
	_ =	sdelay $0x1  }
0x99: {  	s4 =	simm.s32 $_scs_section_size  }
0x9a: {  	s5 =	simm.s32 $_size__tile_overlayer_lowered;
	s6 =	simm.s32 $_tile_overlayer_lowered  }
0x9b: {  	s22 =	simm.s32 $0x1BFF;
	s21 =	sshll.u32 s6, $0x1;
	s3 =	sadd.s32 s4, s19  }
0x9c: {  	s7 =	simm.s32 $0x0;
	s20 =	sshll.u32 s5, $0x1;
	s5 =	sadd.s32 s21, s3  }
0x9d: {  	[timem:s7], [sflag:s22] =	dma.local [hbm:s5], s20  }
0x9e: {  	_ =	swait.ge [sflag:s22], s20  }
0x9f: {  	s4 =	ssub.s32 $0x0, s20;
	[sflag:s22] =	ssyncset.done $0x0  }
0xa0: {  	[sflag:s22] =	ssyncadd.s32 s4;
	_ =	sdelay $0x1  }
0xa1: {  	s23 =	simm.s32 $0x1B8B  }
0xa2: {  	_ =	swait.ge [sflag:s23], $0x1  }
0xa3: {  	[sflag:s23] =	ssyncset.done $0x0  }
0xa4: {  	s25 =	simm.s32 $0x1B8E;
	s24 =	sld [smem:$0x3FFE];
	[sflag:s23] =	ssyncadd.s32 $0xFFFFFFFF  }
0xa5: {  	s26 =	simm.s32 $execute0_lowered;
	[smem:$0x3FD2] =	sst s25  }
0xa6: {  	s5 =	sshll.u32 s26, $0x1;
	_ =	strace $0x8000004C;
	[dreg:$0x1] =	wrdreg $0xFFFFFFFF  }
0xa7: {  	s28 =	simm.s32 $_size_execute0_lowered;
	s3 =	sadd.s32 s3, s5;
	[dreg:$0x0] =	wrdreg $0x0  }
0xa8: {  	s5 =	sshll.u32 s28, $0x1;
	[dreg:$0x2] =	wrdreg s3  }
0xa9: {  	[dreg:$0x3] =	wrdreg s5  }
0xaa: {  	[dreg:$0x4] =	wrdreg $0xC0  }
0xab: {  	_ =	task [dreg:s7], $0x5FFFF  }
0xac: {  	[dreg:$0x1] =	wrdreg $0xFFFFFFFF  }
0xad: {  	[dreg:$0x0] =	wrdreg $0x60  }
0xae: {  	[dreg:$0x2] =	wrdreg s24  }
0xaf: {  	[dreg:$0x3] =	wrdreg s2  }
0xb0: {  	[dreg:$0x4] =	wrdreg $0x1E0000  }
0xb1: {  	[dreg:$0x5] =	wrdreg $0x9  }
0xb2: {  	_ =	task.clear_ibuf [dreg:s7], $0x6FFFF;
	_ =	strace $0x9000004C  }
0xb3: {  	s29 =	simm.s32 $0x9;
	_ =	strace $0x8000004E  }
0xb4: {  	_ =	swait.ge [sflag:s29], $0x1  }
0xb5: {  	[sflag:s29] =	ssyncadd.s32 $0xFFFFFFFF  }
0xb6: {  	_ =	strace $0x9000004E  }
0xb7: {  	_ =	sfence  }
0xb8: {  	s30 =	sld [smem:$0x0];
	_ =	sdelay $0x2  }
0xb9: {  	s31 =	sshll.u32 s1, $0xD;
	s1 =	sshrl.u32 s1, $0x2  }
0xba: {  	s3 =	sand.u32 $0x4000, s31;
	s1 =	sadd.s32 s1, s30  }
0xbb: {  	s0 =	sor.u32 s3, s0;
	s1 =	sshll.u32 s1, $0x11  }
0xbc: {  	s0 =	sor.u32 s1, s0  }
0xbd: {  	s0 =	sadd.s32 $0x8F2B, s0  }
0xbe: {  	[sflag:s0] =	ssyncadd.remote.s32 $0x1  }
0xbf: {  	_ =	sfence.sel $0xFFFF  }
0xc0: {  	[dreg:$0x0] =	wrdreg $0xFFFFFFFF;
	(pc) =	sbr.abs _section_cstart, $3  }
0xc1: {  	[dreg:$0x1] =	wrdreg $0xFFFFFFFF  }
0xc2: {  	_ =	task.clear_ibuf [dreg:s7], $0x2FFFF;
	_ =	strace $0x9FFFFFFF  }
0xc3: {  	(tm) =	ssettm $0x7FFFFFFF  }
tec
execute0_lowered:
.L_overlay_start_1:
0x0: {  	(tag) =	ssettag $0x1  }
0x1: {  	s6 =	rddreg [dreg:$0x0]  }
0x2: {  	s1 =	rddreg [dreg:$0x1]  }
0x3: {  	s2 =	rddreg [dreg:$0x2]  }
0x4: {  	s0 =	rddreg [dreg:$0x3];
	s3 =	simm.s32 $0x0  }
0x5: {  	s4 =	srdreg.scid;
	s11 =	simm.s32 $0x18000;
	s12 =	simm.s32 $0x15000  }
0x6: {  	s13 =	simm.s32 $0x1B000;
	s14 =	simm.s32 $0x2;
	s15 =	simm.s32 $0x4  }
0x7: {  	s16 =	simm.s32 $0x9000;
	s17 =	simm.s32 $0x3;
	s18 =	simm.s32 $0x0  }
0x8: {  	[smem:$0x7FF] =	sst s3;
	s7 =	sand.u32 $0x1, s4;
	s4 =	stileid.u32  }
0x9: {  	s5 =	sadd.s32 $0xC00, s6;
	s6 =	sadd.s32 $0x1B0C00, s6;
	s8 =	ssub.s32 $0x2, s7  }
0xa: {  	_ =	strace $0x8000004D;
	s10 =	sshll.u32 s4, $0x1;
	s9 =	sshrl.u32 s8, $0x1  }
0xb: {  	s7 =	sor.u32 s7, s10;
	s10 =	simm.s32 $0x12000;
	s8 =	ssub.s32 s8, s9  }
0xc: {  	v0 =	vimm.f32 $0.0e+00;
	s7 =	smul.u32 $0x18, s7;
	s9 =	simm.s32 $0x1;
	s8 =	smax.u32 s8, $0x1  }
.LBB2_1:
0xd: {  	s19 =	simm.s32 $0x0  }
.LBB2_2:
0xe: {  	s20 =	sadd.s32 s7, s19;
	s21 =	sand.u32 $0x1, s19  }
0xf: {  	p1 =	seq.s32 s20, $0x0;
	p0 =	seq.s32 s21, $0x1  }
0x10: {  	p1 =	por !p1, !p0  }
0x11: {  	s21 =	simm.s32 $0x1;
	p1 =	por !p1, !p1  }
0x12: {  	s20 =	sshrl.u32 s20, $0x1;
	s21 =	simm.s32 @!p1 $0x0  }
0x13: {  	p1 =	seq.s32 s19, $0x0;
	s20 =	ssub.s32 s20, s21  }
0x14: {  	s21 =	simm.s32 @!p1 $0x3;
	s22 =	smul.u32 $0x9000, s20  }
0x15: {  	_ =	swait.ge @!p1 [sflag:s21], $0x1200  }
0x16: {  	[sflag:s21] =	ssyncset.done @!p1 $0x0;
	s23 =	sshrl.u32 s22, $0x3  }
0x17: {  	[sflag:s21] =	ssyncadd.s32 @!p1 $0xFFFFEE00;
	s30 =	sadd.s32 s1, s23  }
0x18: {  	[tilespmem:s10], [sflag:$0x1] =	stream.linear.gather [hbm4b:s30+s3], $0x3000, $0x38;
	[tilespmem:$0x1E900] =	vst v63  }
0x19: {  	s31 =	sadd.s32 s5, s23;
	s23 =	simm.s32 $0x80  }
0x1a: {  	[tilespmem:s11], [sflag:$0x1] =	stream.linear.gather [hbm4b:s31+s3], $0x3000, $0x38;
	[tilespmem:$0x1E900] =	vst v63  }
0x1b: {  	[tilespmem:s23+$0xFFFFFF80] =	vst v0  }
0x1c: {  	[tilespmem:s23+$0x70] =	vst v0  }
0x1d: {  	[tilespmem:s23+$0x60] =	vst v0  }
0x1e: {  	[tilespmem:s23+$0x50] =	vst v0  }
0x1f: {  	[tilespmem:s23+$0x40] =	vst v0  }
0x20: {  	[tilespmem:s23+$0x30] =	vst v0  }
0x21: {  	[tilespmem:s23+$0x20] =	vst v0  }
0x22: {  	[tilespmem:s23+$0x10] =	vst v0  }
0x23: {  	[tilespmem:s23+$0x0] =	vst v0  }
0x24: {  	[tilespmem:s23+$0xFFFFFFF0] =	vst v0  }
0x25: {  	[tilespmem:s23+$0xFFFFFFE0] =	vst v0  }
0x26: {  	[tilespmem:s23+$0xFFFFFFD0] =	vst v0  }
0x27: {  	[tilespmem:s23+$0xFFFFFFC0] =	vst v0  }
0x28: {  	s21 =	simm.s32 $0x12000;
	[tilespmem:s23+$0xFFFFFFB0] =	vst v0  }
0x29: {  	s24 =	simm.s32 $0x0;
	s21 =	simm.s32 @!p0 $0x0;
	[tilespmem:s23+$0xFFFFFFA0] =	vst v0  }
.LBB2_3:
0x2a: {  	s24 =	sadd.s32 $0x100, s24;
	[tilespmem:s23+$0xFFFFFF90] =	vst v0;
	s23 =	sadd.s32 $0x100, s23  }
0x2b: {  	[tilespmem:s23+$0xFFFFFF80] =	vst v0;
	p0 =	slt.u32 s24, $0x11F00  }
0x2c: {  	[tilespmem:s23+$0x70] =	vst v0  }
0x2d: {  	[tilespmem:s23+$0x60] =	vst v0  }
0x2e: {  	[tilespmem:s23+$0x50] =	vst v0  }
0x2f: {  	[tilespmem:s23+$0x40] =	vst v0  }
0x30: {  	[tilespmem:s23+$0x30] =	vst v0  }
0x31: {  	[tilespmem:s23+$0x20] =	vst v0  }
0x32: {  	[tilespmem:s23+$0x10] =	vst v0  }
0x33: {  	[tilespmem:s23+$0x0] =	vst v0  }
0x34: {  	[tilespmem:s23+$0xFFFFFFF0] =	vst v0  }
.Ltmp0:
0x35: {  	[tilespmem:s23+$0xFFFFFFE0] =	vst v0;
	(pc) =	sbr.rel @p0 .LBB2_3-.Ltmp0, $4  }
0x36: {  	[tilespmem:s23+$0xFFFFFFD0] =	vst v0  }
0x37: {  	[tilespmem:s23+$0xFFFFFFC0] =	vst v0  }
0x38: {  	[tilespmem:s23+$0xFFFFFFB0] =	vst v0  }
0x39: {  	[tilespmem:s23+$0xFFFFFFA0] =	vst v0  }
0x3a: {  	[tilespmem:s23+$0xFFFFFF90] =	vst v0  }
0x3b: {  	_ =	swait.ge [sflag:s9], $0x3000  }
0x3c: {  	[sflag:s9] =	ssyncset.done $0x0  }
0x3d: {  	[sflag:s9] =	ssyncadd.s32 $0xFFFFD000  }
0x3e: {  	s30 =	sadd.s32 $0x3000, s22;
	_ =	swait.ge [sflag:s9], $0x3000  }
0x3f: {  	s23 =	sshrl.u32 s30, $0x3;
	[sflag:s9] =	ssyncset.done $0x0  }
0x40: {  	s24 =	sadd.s32 s1, s23;
	[sflag:s9] =	ssyncadd.s32 $0xFFFFD000  }
0x41: {  	[tilespmem:s12], [sflag:$0x2] =	stream.linear.gather [hbm4b:s24+s3], $0x3000, $0x38;
	[tilespmem:$0x1E900] =	vst v63  }
0x42: {  	s31 =	simm.s32 $0x12080;
	s23 =	sadd.s32 s5, s23  }
0x43: {  	[tilespmem:s13], [sflag:$0x2] =	stream.linear.gather [hbm4b:s23+s3], $0x3000, $0x38;
	[tilespmem:$0x1E900] =	vst v63  }
0x44: {  	v2 =	vld [tilespmem:s31+$0x70]  }
0x45: {  	v3 =	vld [tilespmem:s31+$0xFFFFFF90]  }
0x46: {  	v4 =	vld [tilespmem:s31+$0xFFFFFFA0]  }
0x47: {  	v5 =	vld [tilespmem:s31+$0xFFFFFFB0]  }
0x48: {  	v6 =	vld [tilespmem:s31+$0xFFFFFFC0]  }
0x49: {  	v7 =	vld [tilespmem:s31+$0xFFFFFFD0]  }
0x4a: {  	v1 =	vmov s21;
	v9 =	vld [tilespmem:s31+$0xFFFFFFE0]  }
0x4b: {  	v15 =	vld [tilespmem:s31+$0x0];
	v8 =	vsub.s32 v2, v1  }
0x4c: {  	v21 =	vld [tilespmem:s31+$0x20];
	v2 =	vand.u32 $0x7, v2;
	v10 =	vsub.s32 v3, v1;
	v11 =	vsub.s32 v4, v1  }
0x4d: {  	v14 =	vsub.s32 v5, v1;
	v16 =	vand.u32 $0x7, v3;
	v18 =	vsub.s32 v6, v1  }
0x4e: {  	s23 =	simm.s32 $0x18080;
	v4 =	vand.u32 $0x7, v4;
	v20 =	vsub.s32 v7, v1;
	v22 =	vand.u32 $0x7, v5  }
0x4f: {  	v33 =	vld [tilespmem:s23+$0x70];
	v24 =	vsub.s32 v9, v1;
	v25 =	vand.u32 $0x7, v6;
	v26 =	vand.u32 $0x7, v7  }
0x50: {  	v39 =	vld [tilespmem:s23+$0xFFFFFF80];
	v9 =	vand.u32 $0x7, v9;
	v31 =	vsub.s32 v15, v1;
	v32 =	vand.u32 $0x7, v15  }
0x51: {  	v43 =	vld [tilespmem:s23+$0xFFFFFF90];
	v38 =	vsub.s32 v21, v1;
	v21 =	vand.u32 $0x7, v21;
	vm0 =	vlt.u32 v8, $0x12000  }
0x52: {  	v47 =	vld [tilespmem:s23+$0xFFFFFFA0];
	v8 =	vand.u32 $0xFFFFFFF8, v8;
	v13 =	vand.u32 $0xFFFFFFF8, v11;
	v17 =	vand.u32 $0xFFFFFFF8, v14  }
0x53: {  	v3 =	vld [tilespmem:s31+$0x10];
	v19 =	vand.u32 $0xFFFFFFF8, v18;
	v23 =	vand.u32 $0xFFFFFFF8, v20;
	v27 =	vand.u32 $0xFFFFFFF8, v24  }
0x54: {  	v5 =	vld [tilespmem:s31+$0x30];
	v34 =	vand.u32 $0xFFFFFFF8, v31;
	v40 =	vand.u32 $0xFFFFFFF8, v38;
	vm7 =	vlt.u32 v10, $0x12000  }
0x55: {  	vm8 =	vlt.u32 v11, $0x12000;
	vm11 =	vlt.u32 v14, $0x12000;
	v12 =	vor.u32 v2, v8;
	v2 =	vld [tilespmem:s31+$0xFFFFFFF0]  }
0x56: {  	v6 =	vld [tilespmem:s31+$0x40];
	vm2 =	vlt.u32 v18, $0x12000;
	vm1 =	vlt.u32 v20, $0x12000;
	vm3 =	vlt.u32 v24, $0x12000  }
0x57: {  	v7 =	vld [tilespmem:s31+$0xFFFFFF80];
	vm6 =	vlt.u32 v31, $0x12000;
	vm10 =	vlt.u32 v38, $0x12000;
	v8 =	vand.u32 $0xFFFFFFF8, v10  }
0x58: {  	v15 =	vld [tilespmem:s31+$0x60];
	v56 =	vor.u32 v4, v13;
	v17 =	vor.u32 v22, v17;
	v13 =	vor.u32 v25, v19  }
0x59: {  	v51 =	vld [tilespmem:s23+$0xFFFFFFB0];
	v24 =	vor.u32 v21, v40;
	v55 =	vor.u32 v16, v8;
	v16 =	vor.u32 v9, v27  }
0x5a: {  	v35 =	vsub.s32 v3, v1;
	v28 =	vsub.s32 v2, v1;
	v29 =	vand.u32 $0x7, v2;
	v2 =	vld [tilespmem:s31+$0x50]  }
0x5b: {  	v11 =	vld [tilespmem:s23+$0x20];
	v36 =	vand.u32 $0x7, v3;
	v41 =	vsub.s32 v5, v1;
	v42 =	vand.u32 $0x7, v5  }
0x5c: {  	v14 =	vld [tilespmem:s23+$0x50];
	v45 =	vsub.s32 v6, v1;
	v46 =	vand.u32 $0x7, v6;
	v3 =	vsub.s32 v7, v1  }
0x5d: {  	v10 =	vld [tilespmem:s23+$0x30];
	v54 =	vsub.s32 v15, v1;
	v37 =	vand.u32 $0xFFFFFFF8, v35;
	v44 =	vand.u32 $0xFFFFFFF8, v41  }
0x5e: {  	v8 =	vld [tilespmem:s23+$0x0];
	v48 =	vand.u32 $0xFFFFFFF8, v45;
	v5 =	vand.u32 $0xFFFFFFF8, v3;
	vm4 =	vlt.u32 v3, $0x12000  }
0x5f: {  	v9 =	vld [tilespmem:s23+$0x10];
	v49 =	vsub.s32 v2, v1;
	v50 =	vand.u32 $0x7, v2;
	v2 =	vand.u32 $0x7, v7  }
0x60: {  	v6 =	vld [tilespmem:s23+$0xFFFFFFE0];
	v4 =	vand.u32 $0xFFFFFFF8, v54;
	vm9 =	vlt.u32 v35, $0x12000;
	v53 =	vor.u32 v2, v5  }
0x61: {  	v3 =	vld [tilespmem:s23+$0xFFFFFFC0];
	[tilespmem:v12+s3+$0x0] =	vst.idx.msk vm0, v33;
	v22 =	vor.u32 v36, v37;
	vm0 =	vlt.u32 v41, $0x12000;
	v20 =	vor.u32 v42, v44  }
0x62: {  	[tilespmem:v56+s3+$0x0] =	vst.idx.msk vm8, v47;
	v18 =	vor.u32 v46, v48;
	v2 =	vand.u32 $0x7, v15;
	v5 =	vld [tilespmem:s23+$0xFFFFFFD0];
	v15 =	vor.u32 v26, v23  }
0x63: {  	v12 =	vld [tilespmem:s23+$0x40];
	v30 =	vand.u32 $0xFFFFFFF8, v28;
	vm5 =	vlt.u32 v28, $0x12000;
	[tilespmem:v55+s3+$0x0] =	vst.idx.msk vm7, v43;
	vm7 =	vlt.u32 v54, $0x12000  }
0x64: {  	[tilespmem:v17+s3+$0x0] =	vst.idx.msk vm11, v51;
	v19 =	vor.u32 v29, v30;
	v7 =	vld [tilespmem:s23+$0xFFFFFFF0];
	v52 =	vand.u32 $0xFFFFFFF8, v49;
	v23 =	vor.u32 v32, v34  }
0x65: {  	s25 =	simm.s32 $0x12180;
	s24 =	simm.s32 $0x0;
	v17 =	vld [tilespmem:s23+$0x60];
	vm8 =	vlt.u32 v49, $0x12000;
	v21 =	vor.u32 v50, v52;
	[tilespmem:v53+s3+$0x0] =	vst.idx.msk vm4, v39;
	vm4 =	vlt.u32 v45, $0x12000  }
.LBB2_5:
0x66: {  	v25 =	vld [tilespmem:s25+$0x70];
	s24 =	sadd.s32 $0x100, s24;
	[tilespmem:v13+s3+$0x0] =	vst.idx.msk vm2, v3;
	v2 =	vor.u32 v2, v4  }
0x67: {  	v3 =	vld [tilespmem:s25+$0xFFFFFF90];
	p0 =	slt.u32 s24, $0x2F00;
	[tilespmem:v15+s3+$0x0] =	vst.idx.msk vm1, v5  }
0x68: {  	v4 =	vld [tilespmem:s25+$0xFFFFFFA0];
	[tilespmem:v16+s3+$0x0] =	vst.idx.msk vm3, v6  }
0x69: {  	v5 =	vld [tilespmem:s25+$0xFFFFFFB0];
	[tilespmem:v19+s3+$0x0] =	vst.idx.msk vm5, v7  }
0x6a: {  	v6 =	vld [tilespmem:s25+$0xFFFFFFC0];
	[tilespmem:v23+s3+$0x0] =	vst.idx.msk vm6, v8  }
0x6b: {  	v7 =	vld [tilespmem:s25+$0xFFFFFFD0];
	v8 =	vsub.s32 v25, v1;
	[tilespmem:v22+s3+$0x0] =	vst.idx.msk vm9, v9  }
0x6c: {  	s23 =	sadd.s32 $0x100, s23;
	v13 =	vand.u32 $0x7, v25;
	v9 =	vld [tilespmem:s25+$0xFFFFFFE0];
	vm1 =	vlt.u32 v8, $0x12000;
	v8 =	vand.u32 $0xFFFFFFF8, v8;
	[tilespmem:v24+s3+$0x0] =	vst.idx.msk vm10, v11  }
0x6d: {  	v11 =	vsub.s32 v3, v1;
	v15 =	vsub.s32 v4, v1;
	v16 =	vld [tilespmem:s23+$0x70];
	v8 =	vor.u32 v13, v8  }
0x6e: {  	v13 =	vand.u32 $0xFFFFFFF8, v11;
	v19 =	vand.u32 $0xFFFFFFF8, v15;
	v22 =	vsub.s32 v5, v1;
	v23 =	vld [tilespmem:s25+$0xFFFFFFF0];
	[tilespmem:v20+s3+$0x0] =	vst.idx.msk vm0, v10  }
0x6f: {  	v10 =	vand.u32 $0x7, v3;
	v20 =	vand.u32 $0xFFFFFFF8, v22;
	v24 =	vsub.s32 v6, v1;
	v3 =	vld [tilespmem:s25+$0x0];
	[tilespmem:v18+s3+$0x0] =	vst.idx.msk vm4, v12  }
0x70: {  	v12 =	vand.u32 $0x7, v4;
	v18 =	vand.u32 $0xFFFFFFF8, v24;
	v25 =	vsub.s32 v7, v1;
	v4 =	vld [tilespmem:s25+$0x10];
	[tilespmem:v21+s3+$0x0] =	vst.idx.msk vm8, v14  }
0x71: {  	v14 =	vand.u32 $0x7, v5;
	v21 =	vand.u32 $0xFFFFFFF8, v25;
	v26 =	vsub.s32 v9, v1;
	v5 =	vld [tilespmem:s25+$0x20];
	[tilespmem:v2+s3+$0x0] =	vst.idx.msk vm7, v17  }
0x72: {  	v27 =	vand.u32 $0x7, v7;
	v17 =	vand.u32 $0x7, v6;
	v28 =	vand.u32 $0xFFFFFFF8, v26;
	v2 =	vld [tilespmem:s25+$0x30];
	[tilespmem:v8+s3+$0x0] =	vst.idx.msk vm1, v16  }
0x73: {  	v9 =	vand.u32 $0x7, v9;
	v29 =	vsub.s32 v23, v1;
	v23 =	vand.u32 $0x7, v23;
	v6 =	vld [tilespmem:s25+$0x40]  }
0x74: {  	v30 =	vand.u32 $0xFFFFFFF8, v29;
	v31 =	vsub.s32 v3, v1;
	v32 =	vand.u32 $0x7, v3;
	v3 =	vld [tilespmem:s25+$0x50]  }
0x75: {  	v33 =	vand.u32 $0xFFFFFFF8, v31;
	v34 =	vsub.s32 v4, v1;
	v35 =	vand.u32 $0x7, v4;
	v4 =	vld [tilespmem:s25+$0x60]  }
0x76: {  	v7 =	vld [tilespmem:s25+$0xFFFFFF80];
	v36 =	vand.u32 $0xFFFFFFF8, v34;
	v37 =	vsub.s32 v5, v1;
	v38 =	vand.u32 $0x7, v5  }
0x77: {  	v39 =	vld [tilespmem:s23+$0xFFFFFF80];
	v40 =	vand.u32 $0xFFFFFFF8, v37;
	v41 =	vsub.s32 v2, v1;
	v42 =	vand.u32 $0x7, v2  }
0x78: {  	v43 =	vld [tilespmem:s23+$0xFFFFFF90];
	v44 =	vand.u32 $0xFFFFFFF8, v41;
	v45 =	vsub.s32 v6, v1;
	v46 =	vand.u32 $0x7, v6  }
0x79: {  	v47 =	vld [tilespmem:s23+$0xFFFFFFA0];
	v48 =	vand.u32 $0xFFFFFFF8, v45;
	v49 =	vsub.s32 v3, v1;
	v50 =	vand.u32 $0x7, v3  }
0x7a: {  	v51 =	vld [tilespmem:s23+$0xFFFFFFB0];
	v52 =	vand.u32 $0xFFFFFFF8, v49;
	v53 =	vsub.s32 v4, v1;
	v2 =	vand.u32 $0x7, v4  }
0x7b: {  	v5 =	vsub.s32 v7, v1;
	v6 =	vand.u32 $0x7, v7;
	v3 =	vld [tilespmem:s23+$0xFFFFFFC0];
	v4 =	vand.u32 $0xFFFFFFF8, v53  }
0x7c: {  	vm0 =	vlt.u32 v11, $0x12000;
	vm8 =	vlt.u32 v5, $0x12000;
	v7 =	vand.u32 $0xFFFFFFF8, v5;
	v5 =	vld [tilespmem:s23+$0xFFFFFFD0]  }
0x7d: {  	v55 =	vor.u32 v10, v13;
	vm4 =	vlt.u32 v15, $0x12000;
	v54 =	vor.u32 v6, v7;
	v6 =	vld [tilespmem:s23+$0xFFFFFFE0]  }
0x7e: {  	v56 =	vor.u32 v12, v19;
	vm7 =	vlt.u32 v22, $0x12000;
	v57 =	vor.u32 v14, v20;
	v7 =	vld [tilespmem:s23+$0xFFFFFFF0]  }
0x7f: {  	vm2 =	vlt.u32 v24, $0x12000;
	v13 =	vor.u32 v17, v18;
	vm1 =	vlt.u32 v25, $0x12000;
	v8 =	vld [tilespmem:s23+$0x0]  }
0x80: {  	v15 =	vor.u32 v27, v21;
	vm3 =	vlt.u32 v26, $0x12000;
	v16 =	vor.u32 v9, v28;
	v9 =	vld [tilespmem:s23+$0x10]  }
.Ltmp1:
0x81: {  	vm5 =	vlt.u32 v29, $0x12000;
	v19 =	vor.u32 v23, v30;
	vm6 =	vlt.u32 v31, $0x12000;
	v11 =	vld [tilespmem:s23+$0x20];
	(pc) =	sbr.rel @p0 .LBB2_5-.Ltmp1, $4  }
0x82: {  	v23 =	vor.u32 v32, v33;
	vm9 =	vlt.u32 v34, $0x12000;
	v22 =	vor.u32 v35, v36;
	[tilespmem:v54+s3+$0x0] =	vst.idx.msk vm8, v39;
	v10 =	vld [tilespmem:s23+$0x30]  }
0x83: {  	vm10 =	vlt.u32 v37, $0x12000;
	v24 =	vor.u32 v38, v40;
	[tilespmem:v55+s3+$0x0] =	vst.idx.msk vm0, v43;
	vm0 =	vlt.u32 v41, $0x12000;
	v12 =	vld [tilespmem:s23+$0x40]  }
0x84: {  	v20 =	vor.u32 v42, v44;
	v18 =	vor.u32 v46, v48;
	[tilespmem:v56+s3+$0x0] =	vst.idx.msk vm4, v47;
	vm4 =	vlt.u32 v45, $0x12000;
	v14 =	vld [tilespmem:s23+$0x50]  }
0x85: {  	s25 =	sadd.s32 $0x100, s25;
	v21 =	vor.u32 v50, v52;
	vm8 =	vlt.u32 v49, $0x12000;
	[tilespmem:v57+s3+$0x0] =	vst.idx.msk vm7, v51;
	v17 =	vld [tilespmem:s23+$0x60];
	vm7 =	vlt.u32 v53, $0x12000  }
0x86: {  	_ =	sdelay $0x4  }
0x87: {  	[tilespmem:v13+s3+$0x0] =	vst.idx.msk vm2, v3  }
0x88: {  	[tilespmem:v15+s3+$0x0] =	vst.idx.msk vm1, v5  }
0x89: {  	[tilespmem:v16+s3+$0x0] =	vst.idx.msk vm3, v6  }
0x8a: {  	[tilespmem:v19+s3+$0x0] =	vst.idx.msk vm5, v7  }
0x8b: {  	[tilespmem:v23+s3+$0x0] =	vst.idx.msk vm6, v8  }
0x8c: {  	v2 =	vor.u32 v2, v4;
	[tilespmem:v22+s3+$0x0] =	vst.idx.msk vm9, v9  }
0x8d: {  	[tilespmem:v24+s3+$0x0] =	vst.idx.msk vm10, v11  }
0x8e: {  	[tilespmem:v20+s3+$0x0] =	vst.idx.msk vm0, v10  }
0x8f: {  	[tilespmem:v18+s3+$0x0] =	vst.idx.msk vm4, v12  }
0x90: {  	[tilespmem:v21+s3+$0x0] =	vst.idx.msk vm8, v14  }
0x91: {  	[tilespmem:v2+s3+$0x0] =	vst.idx.msk vm7, v17  }
0x92: {  	_ =	swait.ge [sflag:s14], $0x3000  }
0x93: {  	[sflag:s14] =	ssyncset.done $0x0  }
0x94: {  	[sflag:s14] =	ssyncadd.s32 $0xFFFFD000  }
0x95: {  	s22 =	sadd.s32 $0x6000, s22;
	_ =	swait.ge [sflag:s14], $0x3000  }
0x96: {  	s22 =	sshrl.u32 s22, $0x3;
	[sflag:s14] =	ssyncset.done $0x0  }
0x97: {  	s23 =	sadd.s32 s1, s22;
	[sflag:s14] =	ssyncadd.s32 $0xFFFFD000  }
0x98: {  	[tilespmem:s10], [sflag:$0x1] =	stream.linear.gather [hbm4b:s23+s3], $0x3000, $0x38;
	[tilespmem:$0x1E900] =	vst v63  }
0x99: {  	s31 =	simm.s32 $0x150F0;
	s22 =	sadd.s32 s5, s22  }
0x9a: {  	[tilespmem:s11], [sflag:$0x1] =	stream.linear.gather [hbm4b:s22+s3], $0x3000, $0x38;
	[tilespmem:$0x1E900] =	vst v63  }
0x9b: {  	v2 =	vld [tilespmem:s31+$0x0]  }
0x9c: {  	v3 =	vld [tilespmem:s31+$0xFFFFFF20]  }
0x9d: {  	v4 =	vld [tilespmem:s31+$0xFFFFFF30]  }
0x9e: {  	v5 =	vld [tilespmem:s31+$0xFFFFFF40]  }
0x9f: {  	v6 =	vld [tilespmem:s31+$0xFFFFFF50]  }
0xa0: {  	v7 =	vld [tilespmem:s31+$0xFFFFFF60]  }
0xa1: {  	v9 =	vld [tilespmem:s31+$0xFFFFFF70]  }
0xa2: {  	v15 =	vld [tilespmem:s31+$0xFFFFFF90];
	v8 =	vsub.s32 v2, v1  }
0xa3: {  	v21 =	vld [tilespmem:s31+$0xFFFFFFB0];
	v2 =	vand.u32 $0x7, v2;
	v10 =	vsub.s32 v3, v1;
	v11 =	vsub.s32 v4, v1  }
0xa4: {  	v14 =	vsub.s32 v5, v1;
	v16 =	vand.u32 $0x7, v3;
	v18 =	vsub.s32 v6, v1  }
0xa5: {  	s22 =	simm.s32 $0x1B0F0;
	v4 =	vand.u32 $0x7, v4;
	v20 =	vsub.s32 v7, v1;
	v22 =	vand.u32 $0x7, v5  }
0xa6: {  	v33 =	vld [tilespmem:s22+$0x0];
	v24 =	vsub.s32 v9, v1;
	v25 =	vand.u32 $0x7, v6;
	v26 =	vand.u32 $0x7, v7  }
0xa7: {  	v39 =	vld [tilespmem:s22+$0xFFFFFF10];
	v9 =	vand.u32 $0x7, v9;
	v31 =	vsub.s32 v15, v1;
	v32 =	vand.u32 $0x7, v15  }
0xa8: {  	v43 =	vld [tilespmem:s22+$0xFFFFFF20];
	v38 =	vsub.s32 v21, v1;
	v21 =	vand.u32 $0x7, v21;
	vm0 =	vlt.u32 v8, $0x12000  }
0xa9: {  	v47 =	vld [tilespmem:s22+$0xFFFFFF30];
	v8 =	vand.u32 $0xFFFFFFF8, v8;
	v13 =	vand.u32 $0xFFFFFFF8, v11;
	v17 =	vand.u32 $0xFFFFFFF8, v14  }
0xaa: {  	v3 =	vld [tilespmem:s31+$0xFFFFFFA0];
	v19 =	vand.u32 $0xFFFFFFF8, v18;
	v23 =	vand.u32 $0xFFFFFFF8, v20;
	v27 =	vand.u32 $0xFFFFFFF8, v24  }
0xab: {  	v5 =	vld [tilespmem:s31+$0xFFFFFFC0];
	v34 =	vand.u32 $0xFFFFFFF8, v31;
	v40 =	vand.u32 $0xFFFFFFF8, v38;
	vm7 =	vlt.u32 v10, $0x12000  }
0xac: {  	vm8 =	vlt.u32 v11, $0x12000;
	vm11 =	vlt.u32 v14, $0x12000;
	v12 =	vor.u32 v2, v8;
	v2 =	vld [tilespmem:s31+$0xFFFFFF80]  }
0xad: {  	v6 =	vld [tilespmem:s31+$0xFFFFFFD0];
	vm2 =	vlt.u32 v18, $0x12000;
	vm1 =	vlt.u32 v20, $0x12000;
	vm3 =	vlt.u32 v24, $0x12000  }
0xae: {  	v7 =	vld [tilespmem:s31+$0xFFFFFF10];
	vm6 =	vlt.u32 v31, $0x12000;
	vm10 =	vlt.u32 v38, $0x12000;
	v8 =	vand.u32 $0xFFFFFFF8, v10  }
0xaf: {  	v15 =	vld [tilespmem:s31+$0xFFFFFFF0];
	v56 =	vor.u32 v4, v13;
	v17 =	vor.u32 v22, v17;
	v13 =	vor.u32 v25, v19  }
0xb0: {  	v51 =	vld [tilespmem:s22+$0xFFFFFF40];
	v24 =	vor.u32 v21, v40;
	v55 =	vor.u32 v16, v8;
	v16 =	vor.u32 v9, v27  }
0xb1: {  	v35 =	vsub.s32 v3, v1;
	v28 =	vsub.s32 v2, v1;
	v29 =	vand.u32 $0x7, v2;
	v2 =	vld [tilespmem:s31+$0xFFFFFFE0]  }
0xb2: {  	v11 =	vld [tilespmem:s22+$0xFFFFFFB0];
	v36 =	vand.u32 $0x7, v3;
	v41 =	vsub.s32 v5, v1;
	v42 =	vand.u32 $0x7, v5  }
0xb3: {  	v14 =	vld [tilespmem:s22+$0xFFFFFFE0];
	v45 =	vsub.s32 v6, v1;
	v46 =	vand.u32 $0x7, v6;
	v3 =	vsub.s32 v7, v1  }
0xb4: {  	v10 =	vld [tilespmem:s22+$0xFFFFFFC0];
	v54 =	vsub.s32 v15, v1;
	v37 =	vand.u32 $0xFFFFFFF8, v35;
	v44 =	vand.u32 $0xFFFFFFF8, v41  }
0xb5: {  	v8 =	vld [tilespmem:s22+$0xFFFFFF90];
	v48 =	vand.u32 $0xFFFFFFF8, v45;
	v5 =	vand.u32 $0xFFFFFFF8, v3;
	vm4 =	vlt.u32 v3, $0x12000  }
0xb6: {  	v9 =	vld [tilespmem:s22+$0xFFFFFFA0];
	v49 =	vsub.s32 v2, v1;
	v50 =	vand.u32 $0x7, v2;
	v2 =	vand.u32 $0x7, v7  }
0xb7: {  	v6 =	vld [tilespmem:s22+$0xFFFFFF70];
	v4 =	vand.u32 $0xFFFFFFF8, v54;
	vm9 =	vlt.u32 v35, $0x12000;
	v53 =	vor.u32 v2, v5  }
0xb8: {  	v3 =	vld [tilespmem:s22+$0xFFFFFF50];
	[tilespmem:v12+s3+$0x0] =	vst.idx.msk vm0, v33;
	v22 =	vor.u32 v36, v37;
	vm0 =	vlt.u32 v41, $0x12000;
	v20 =	vor.u32 v42, v44  }
0xb9: {  	[tilespmem:v56+s3+$0x0] =	vst.idx.msk vm8, v47;
	v18 =	vor.u32 v46, v48;
	v2 =	vand.u32 $0x7, v15;
	v5 =	vld [tilespmem:s22+$0xFFFFFF60];
	v15 =	vor.u32 v26, v23  }
0xba: {  	v12 =	vld [tilespmem:s22+$0xFFFFFFD0];
	v30 =	vand.u32 $0xFFFFFFF8, v28;
	vm5 =	vlt.u32 v28, $0x12000;
	[tilespmem:v55+s3+$0x0] =	vst.idx.msk vm7, v43;
	vm7 =	vlt.u32 v54, $0x12000  }
0xbb: {  	[tilespmem:v17+s3+$0x0] =	vst.idx.msk vm11, v51;
	v19 =	vor.u32 v29, v30;
	v7 =	vld [tilespmem:s22+$0xFFFFFF80];
	v52 =	vand.u32 $0xFFFFFFF8, v49;
	v23 =	vor.u32 v32, v34  }
0xbc: {  	s24 =	simm.s32 $0x151F0;
	s23 =	simm.s32 $0x0;
	v17 =	vld [tilespmem:s22+$0xFFFFFFF0];
	vm8 =	vlt.u32 v49, $0x12000;
	v21 =	vor.u32 v50, v52;
	[tilespmem:v53+s3+$0x0] =	vst.idx.msk vm4, v39;
	vm4 =	vlt.u32 v45, $0x12000  }
.LBB2_7:
0xbd: {  	v25 =	vld [tilespmem:s24+$0x0];
	s23 =	sadd.s32 $0x100, s23;
	[tilespmem:v13+s3+$0x0] =	vst.idx.msk vm2, v3;
	v2 =	vor.u32 v2, v4  }
0xbe: {  	v3 =	vld [tilespmem:s24+$0xFFFFFF20];
	p0 =	slt.u32 s23, $0x2F00;
	[tilespmem:v15+s3+$0x0] =	vst.idx.msk vm1, v5  }
0xbf: {  	v4 =	vld [tilespmem:s24+$0xFFFFFF30];
	[tilespmem:v16+s3+$0x0] =	vst.idx.msk vm3, v6  }
0xc0: {  	v5 =	vld [tilespmem:s24+$0xFFFFFF40];
	[tilespmem:v19+s3+$0x0] =	vst.idx.msk vm5, v7  }
0xc1: {  	v6 =	vld [tilespmem:s24+$0xFFFFFF50];
	[tilespmem:v23+s3+$0x0] =	vst.idx.msk vm6, v8  }
0xc2: {  	v7 =	vld [tilespmem:s24+$0xFFFFFF60];
	v8 =	vsub.s32 v25, v1;
	[tilespmem:v22+s3+$0x0] =	vst.idx.msk vm9, v9  }
0xc3: {  	s22 =	sadd.s32 $0x100, s22;
	v13 =	vand.u32 $0x7, v25;
	v9 =	vld [tilespmem:s24+$0xFFFFFF70];
	vm1 =	vlt.u32 v8, $0x12000;
	v8 =	vand.u32 $0xFFFFFFF8, v8;
	[tilespmem:v24+s3+$0x0] =	vst.idx.msk vm10, v11  }
0xc4: {  	v11 =	vsub.s32 v3, v1;
	v15 =	vsub.s32 v4, v1;
	v16 =	vld [tilespmem:s22+$0x0];
	v8 =	vor.u32 v13, v8  }
0xc5: {  	v13 =	vand.u32 $0xFFFFFFF8, v11;
	v19 =	vand.u32 $0xFFFFFFF8, v15;
	v22 =	vsub.s32 v5, v1;
	v23 =	vld [tilespmem:s24+$0xFFFFFF80];
	[tilespmem:v20+s3+$0x0] =	vst.idx.msk vm0, v10  }
0xc6: {  	v10 =	vand.u32 $0x7, v3;
	v20 =	vand.u32 $0xFFFFFFF8, v22;
	v24 =	vsub.s32 v6, v1;
	v3 =	vld [tilespmem:s24+$0xFFFFFF90];
	[tilespmem:v18+s3+$0x0] =	vst.idx.msk vm4, v12  }
0xc7: {  	v12 =	vand.u32 $0x7, v4;
	v18 =	vand.u32 $0xFFFFFFF8, v24;
	v25 =	vsub.s32 v7, v1;
	v4 =	vld [tilespmem:s24+$0xFFFFFFA0];
	[tilespmem:v21+s3+$0x0] =	vst.idx.msk vm8, v14  }
0xc8: {  	v14 =	vand.u32 $0x7, v5;
	v21 =	vand.u32 $0xFFFFFFF8, v25;
	v26 =	vsub.s32 v9, v1;
	v5 =	vld [tilespmem:s24+$0xFFFFFFB0];
	[tilespmem:v2+s3+$0x0] =	vst.idx.msk vm7, v17  }
0xc9: {  	v27 =	vand.u32 $0x7, v7;
	v17 =	vand.u32 $0x7, v6;
	v28 =	vand.u32 $0xFFFFFFF8, v26;
	v2 =	vld [tilespmem:s24+$0xFFFFFFC0];
	[tilespmem:v8+s3+$0x0] =	vst.idx.msk vm1, v16  }
0xca: {  	v9 =	vand.u32 $0x7, v9;
	v29 =	vsub.s32 v23, v1;
	v23 =	vand.u32 $0x7, v23;
	v6 =	vld [tilespmem:s24+$0xFFFFFFD0]  }
0xcb: {  	v30 =	vand.u32 $0xFFFFFFF8, v29;
	v31 =	vsub.s32 v3, v1;
	v32 =	vand.u32 $0x7, v3;
	v3 =	vld [tilespmem:s24+$0xFFFFFFE0]  }
0xcc: {  	v33 =	vand.u32 $0xFFFFFFF8, v31;
	v34 =	vsub.s32 v4, v1;
	v35 =	vand.u32 $0x7, v4;
	v4 =	vld [tilespmem:s24+$0xFFFFFFF0]  }
0xcd: {  	v7 =	vld [tilespmem:s24+$0xFFFFFF10];
	v36 =	vand.u32 $0xFFFFFFF8, v34;
	v37 =	vsub.s32 v5, v1;
	v38 =	vand.u32 $0x7, v5  }
0xce: {  	v39 =	vld [tilespmem:s22+$0xFFFFFF10];
	v40 =	vand.u32 $0xFFFFFFF8, v37;
	v41 =	vsub.s32 v2, v1;
	v42 =	vand.u32 $0x7, v2  }
0xcf: {  	v43 =	vld [tilespmem:s22+$0xFFFFFF20];
	v44 =	vand.u32 $0xFFFFFFF8, v41;
	v45 =	vsub.s32 v6, v1;
	v46 =	vand.u32 $0x7, v6  }
0xd0: {  	v47 =	vld [tilespmem:s22+$0xFFFFFF30];
	v48 =	vand.u32 $0xFFFFFFF8, v45;
	v49 =	vsub.s32 v3, v1;
	v50 =	vand.u32 $0x7, v3  }
0xd1: {  	v51 =	vld [tilespmem:s22+$0xFFFFFF40];
	v52 =	vand.u32 $0xFFFFFFF8, v49;
	v53 =	vsub.s32 v4, v1;
	v2 =	vand.u32 $0x7, v4  }
0xd2: {  	v5 =	vsub.s32 v7, v1;
	v6 =	vand.u32 $0x7, v7;
	v3 =	vld [tilespmem:s22+$0xFFFFFF50];
	v4 =	vand.u32 $0xFFFFFFF8, v53  }
0xd3: {  	vm0 =	vlt.u32 v11, $0x12000;
	vm8 =	vlt.u32 v5, $0x12000;
	v7 =	vand.u32 $0xFFFFFFF8, v5;
	v5 =	vld [tilespmem:s22+$0xFFFFFF60]  }
0xd4: {  	v55 =	vor.u32 v10, v13;
	vm4 =	vlt.u32 v15, $0x12000;
	v54 =	vor.u32 v6, v7;
	v6 =	vld [tilespmem:s22+$0xFFFFFF70]  }
0xd5: {  	v56 =	vor.u32 v12, v19;
	vm7 =	vlt.u32 v22, $0x12000;
	v57 =	vor.u32 v14, v20;
	v7 =	vld [tilespmem:s22+$0xFFFFFF80]  }
0xd6: {  	vm2 =	vlt.u32 v24, $0x12000;
	v13 =	vor.u32 v17, v18;
	vm1 =	vlt.u32 v25, $0x12000;
	v8 =	vld [tilespmem:s22+$0xFFFFFF90]  }
0xd7: {  	v15 =	vor.u32 v27, v21;
	vm3 =	vlt.u32 v26, $0x12000;
	v16 =	vor.u32 v9, v28;
	v9 =	vld [tilespmem:s22+$0xFFFFFFA0]  }
.Ltmp2:
0xd8: {  	vm5 =	vlt.u32 v29, $0x12000;
	v19 =	vor.u32 v23, v30;
	vm6 =	vlt.u32 v31, $0x12000;
	v11 =	vld [tilespmem:s22+$0xFFFFFFB0];
	(pc) =	sbr.rel @p0 .LBB2_7-.Ltmp2, $4  }
0xd9: {  	v23 =	vor.u32 v32, v33;
	vm9 =	vlt.u32 v34, $0x12000;
	v22 =	vor.u32 v35, v36;
	[tilespmem:v54+s3+$0x0] =	vst.idx.msk vm8, v39;
	v10 =	vld [tilespmem:s22+$0xFFFFFFC0]  }
0xda: {  	vm10 =	vlt.u32 v37, $0x12000;
	v24 =	vor.u32 v38, v40;
	[tilespmem:v55+s3+$0x0] =	vst.idx.msk vm0, v43;
	vm0 =	vlt.u32 v41, $0x12000;
	v12 =	vld [tilespmem:s22+$0xFFFFFFD0]  }
0xdb: {  	v20 =	vor.u32 v42, v44;
	v18 =	vor.u32 v46, v48;
	[tilespmem:v56+s3+$0x0] =	vst.idx.msk vm4, v47;
	vm4 =	vlt.u32 v45, $0x12000;
	v14 =	vld [tilespmem:s22+$0xFFFFFFE0]  }
0xdc: {  	s24 =	sadd.s32 $0x100, s24;
	v21 =	vor.u32 v50, v52;
	vm8 =	vlt.u32 v49, $0x12000;
	[tilespmem:v57+s3+$0x0] =	vst.idx.msk vm7, v51;
	v17 =	vld [tilespmem:s22+$0xFFFFFFF0];
	vm7 =	vlt.u32 v53, $0x12000  }
0xdd: {  	_ =	sdelay $0x4  }
0xde: {  	[tilespmem:v13+s3+$0x0] =	vst.idx.msk vm2, v3  }
0xdf: {  	[tilespmem:v15+s3+$0x0] =	vst.idx.msk vm1, v5  }
0xe0: {  	[tilespmem:v16+s3+$0x0] =	vst.idx.msk vm3, v6  }
0xe1: {  	[tilespmem:v19+s3+$0x0] =	vst.idx.msk vm5, v7  }
0xe2: {  	[tilespmem:v23+s3+$0x0] =	vst.idx.msk vm6, v8  }
0xe3: {  	v2 =	vor.u32 v2, v4;
	[tilespmem:v22+s3+$0x0] =	vst.idx.msk vm9, v9  }
0xe4: {  	[tilespmem:v24+s3+$0x0] =	vst.idx.msk vm10, v11  }
0xe5: {  	[tilespmem:v20+s3+$0x0] =	vst.idx.msk vm0, v10  }
0xe6: {  	[tilespmem:v18+s3+$0x0] =	vst.idx.msk vm4, v12  }
0xe7: {  	[tilespmem:v21+s3+$0x0] =	vst.idx.msk vm8, v14  }
0xe8: {  	[tilespmem:v2+s3+$0x0] =	vst.idx.msk vm7, v17  }
0xe9: {  	_ =	swait.ge [sflag:s9], $0x3000  }
0xea: {  	[sflag:s9] =	ssyncset.done $0x0  }
0xeb: {  	[sflag:s9] =	ssyncadd.s32 $0xFFFFD000  }
0xec: {  	_ =	swait.ge [sflag:s9], $0x3000  }
0xed: {  	[sflag:s9] =	ssyncset.done $0x0  }
0xee: {  	s23 =	simm.s32 $0x12080;
	[sflag:s9] =	ssyncadd.s32 $0xFFFFD000  }
0xef: {  	v2 =	vld [tilespmem:s23+$0x70]  }
0xf0: {  	v3 =	vld [tilespmem:s23+$0xFFFFFF90]  }
0xf1: {  	v4 =	vld [tilespmem:s23+$0xFFFFFFA0]  }
0xf2: {  	v5 =	vld [tilespmem:s23+$0xFFFFFFB0]  }
0xf3: {  	v6 =	vld [tilespmem:s23+$0xFFFFFFC0]  }
0xf4: {  	v7 =	vld [tilespmem:s23+$0xFFFFFFD0]  }
0xf5: {  	v9 =	vld [tilespmem:s23+$0xFFFFFFE0]  }
0xf6: {  	v15 =	vld [tilespmem:s23+$0x0];
	v8 =	vsub.s32 v2, v1  }
0xf7: {  	v21 =	vld [tilespmem:s23+$0x20];
	v2 =	vand.u32 $0x7, v2;
	v10 =	vsub.s32 v3, v1;
	v11 =	vsub.s32 v4, v1  }
0xf8: {  	v14 =	vsub.s32 v5, v1;
	v16 =	vand.u32 $0x7, v3;
	v18 =	vsub.s32 v6, v1  }
0xf9: {  	s22 =	simm.s32 $0x18080;
	v4 =	vand.u32 $0x7, v4;
	v20 =	vsub.s32 v7, v1;
	v22 =	vand.u32 $0x7, v5  }
0xfa: {  	v33 =	vld [tilespmem:s22+$0x70];
	v24 =	vsub.s32 v9, v1;
	v25 =	vand.u32 $0x7, v6;
	v26 =	vand.u32 $0x7, v7  }
0xfb: {  	v39 =	vld [tilespmem:s22+$0xFFFFFF80];
	v9 =	vand.u32 $0x7, v9;
	v31 =	vsub.s32 v15, v1;
	v32 =	vand.u32 $0x7, v15  }
0xfc: {  	v43 =	vld [tilespmem:s22+$0xFFFFFF90];
	v38 =	vsub.s32 v21, v1;
	v21 =	vand.u32 $0x7, v21;
	vm0 =	vlt.u32 v8, $0x12000  }
0xfd: {  	v47 =	vld [tilespmem:s22+$0xFFFFFFA0];
	v8 =	vand.u32 $0xFFFFFFF8, v8;
	v13 =	vand.u32 $0xFFFFFFF8, v11;
	v17 =	vand.u32 $0xFFFFFFF8, v14  }
0xfe: {  	v3 =	vld [tilespmem:s23+$0x10];
	v19 =	vand.u32 $0xFFFFFFF8, v18;
	v23 =	vand.u32 $0xFFFFFFF8, v20;
	v27 =	vand.u32 $0xFFFFFFF8, v24  }
0xff: {  	v5 =	vld [tilespmem:s23+$0x30];
	v34 =	vand.u32 $0xFFFFFFF8, v31;
	v40 =	vand.u32 $0xFFFFFFF8, v38;
	vm7 =	vlt.u32 v10, $0x12000  }
0x100: {  	vm8 =	vlt.u32 v11, $0x12000;
	vm11 =	vlt.u32 v14, $0x12000;
	v12 =	vor.u32 v2, v8;
	v2 =	vld [tilespmem:s23+$0xFFFFFFF0]  }
0x101: {  	v6 =	vld [tilespmem:s23+$0x40];
	vm2 =	vlt.u32 v18, $0x12000;
	vm1 =	vlt.u32 v20, $0x12000;
	vm3 =	vlt.u32 v24, $0x12000  }
0x102: {  	v7 =	vld [tilespmem:s23+$0xFFFFFF80];
	vm6 =	vlt.u32 v31, $0x12000;
	vm10 =	vlt.u32 v38, $0x12000;
	v8 =	vand.u32 $0xFFFFFFF8, v10  }
0x103: {  	v15 =	vld [tilespmem:s23+$0x60];
	v56 =	vor.u32 v4, v13;
	v17 =	vor.u32 v22, v17;
	v13 =	vor.u32 v25, v19  }
0x104: {  	v51 =	vld [tilespmem:s22+$0xFFFFFFB0];
	v24 =	vor.u32 v21, v40;
	v55 =	vor.u32 v16, v8;
	v16 =	vor.u32 v9, v27  }
0x105: {  	v35 =	vsub.s32 v3, v1;
	v28 =	vsub.s32 v2, v1;
	v29 =	vand.u32 $0x7, v2;
	v2 =	vld [tilespmem:s23+$0x50]  }
0x106: {  	v11 =	vld [tilespmem:s22+$0x20];
	v36 =	vand.u32 $0x7, v3;
	v41 =	vsub.s32 v5, v1;
	v42 =	vand.u32 $0x7, v5  }
0x107: {  	v14 =	vld [tilespmem:s22+$0x50];
	v45 =	vsub.s32 v6, v1;
	v46 =	vand.u32 $0x7, v6;
	v3 =	vsub.s32 v7, v1  }
0x108: {  	v10 =	vld [tilespmem:s22+$0x30];
	v54 =	vsub.s32 v15, v1;
	v37 =	vand.u32 $0xFFFFFFF8, v35;
	v44 =	vand.u32 $0xFFFFFFF8, v41  }
0x109: {  	v8 =	vld [tilespmem:s22+$0x0];
	v48 =	vand.u32 $0xFFFFFFF8, v45;
	v5 =	vand.u32 $0xFFFFFFF8, v3;
	vm4 =	vlt.u32 v3, $0x12000  }
0x10a: {  	v9 =	vld [tilespmem:s22+$0x10];
	v49 =	vsub.s32 v2, v1;
	v50 =	vand.u32 $0x7, v2;
	v2 =	vand.u32 $0x7, v7  }
0x10b: {  	v6 =	vld [tilespmem:s22+$0xFFFFFFE0];
	v4 =	vand.u32 $0xFFFFFFF8, v54;
	vm9 =	vlt.u32 v35, $0x12000;
	v53 =	vor.u32 v2, v5  }
0x10c: {  	v3 =	vld [tilespmem:s22+$0xFFFFFFC0];
	[tilespmem:v12+s3+$0x0] =	vst.idx.msk vm0, v33;
	v22 =	vor.u32 v36, v37;
	vm0 =	vlt.u32 v41, $0x12000;
	v20 =	vor.u32 v42, v44  }
0x10d: {  	[tilespmem:v56+s3+$0x0] =	vst.idx.msk vm8, v47;
	v18 =	vor.u32 v46, v48;
	v2 =	vand.u32 $0x7, v15;
	v5 =	vld [tilespmem:s22+$0xFFFFFFD0];
	v15 =	vor.u32 v26, v23  }
0x10e: {  	v12 =	vld [tilespmem:s22+$0x40];
	v30 =	vand.u32 $0xFFFFFFF8, v28;
	vm5 =	vlt.u32 v28, $0x12000;
	[tilespmem:v55+s3+$0x0] =	vst.idx.msk vm7, v43;
	vm7 =	vlt.u32 v54, $0x12000  }
0x10f: {  	[tilespmem:v17+s3+$0x0] =	vst.idx.msk vm11, v51;
	v19 =	vor.u32 v29, v30;
	v7 =	vld [tilespmem:s22+$0xFFFFFFF0];
	v52 =	vand.u32 $0xFFFFFFF8, v49;
	v23 =	vor.u32 v32, v34  }
0x110: {  	s24 =	simm.s32 $0x12180;
	s23 =	simm.s32 $0x0;
	v17 =	vld [tilespmem:s22+$0x60];
	vm8 =	vlt.u32 v49, $0x12000;
	v21 =	vor.u32 v50, v52;
	[tilespmem:v53+s3+$0x0] =	vst.idx.msk vm4, v39;
	vm4 =	vlt.u32 v45, $0x12000  }
.LBB2_9:
0x111: {  	v25 =	vld [tilespmem:s24+$0x70];
	s23 =	sadd.s32 $0x100, s23;
	[tilespmem:v13+s3+$0x0] =	vst.idx.msk vm2, v3;
	v2 =	vor.u32 v2, v4  }
0x112: {  	v3 =	vld [tilespmem:s24+$0xFFFFFF90];
	p0 =	slt.u32 s23, $0x2F00;
	[tilespmem:v15+s3+$0x0] =	vst.idx.msk vm1, v5  }
0x113: {  	v4 =	vld [tilespmem:s24+$0xFFFFFFA0];
	[tilespmem:v16+s3+$0x0] =	vst.idx.msk vm3, v6  }
0x114: {  	v5 =	vld [tilespmem:s24+$0xFFFFFFB0];
	[tilespmem:v19+s3+$0x0] =	vst.idx.msk vm5, v7  }
0x115: {  	v6 =	vld [tilespmem:s24+$0xFFFFFFC0];
	[tilespmem:v23+s3+$0x0] =	vst.idx.msk vm6, v8  }
0x116: {  	v7 =	vld [tilespmem:s24+$0xFFFFFFD0];
	v8 =	vsub.s32 v25, v1;
	[tilespmem:v22+s3+$0x0] =	vst.idx.msk vm9, v9  }
0x117: {  	s22 =	sadd.s32 $0x100, s22;
	v13 =	vand.u32 $0x7, v25;
	v9 =	vld [tilespmem:s24+$0xFFFFFFE0];
	vm1 =	vlt.u32 v8, $0x12000;
	v8 =	vand.u32 $0xFFFFFFF8, v8;
	[tilespmem:v24+s3+$0x0] =	vst.idx.msk vm10, v11  }
0x118: {  	v11 =	vsub.s32 v3, v1;
	v15 =	vsub.s32 v4, v1;
	v16 =	vld [tilespmem:s22+$0x70];
	v8 =	vor.u32 v13, v8  }
0x119: {  	v13 =	vand.u32 $0xFFFFFFF8, v11;
	v19 =	vand.u32 $0xFFFFFFF8, v15;
	v22 =	vsub.s32 v5, v1;
	v23 =	vld [tilespmem:s24+$0xFFFFFFF0];
	[tilespmem:v20+s3+$0x0] =	vst.idx.msk vm0, v10  }
0x11a: {  	v10 =	vand.u32 $0x7, v3;
	v20 =	vand.u32 $0xFFFFFFF8, v22;
	v24 =	vsub.s32 v6, v1;
	v3 =	vld [tilespmem:s24+$0x0];
	[tilespmem:v18+s3+$0x0] =	vst.idx.msk vm4, v12  }
0x11b: {  	v12 =	vand.u32 $0x7, v4;
	v18 =	vand.u32 $0xFFFFFFF8, v24;
	v25 =	vsub.s32 v7, v1;
	v4 =	vld [tilespmem:s24+$0x10];
	[tilespmem:v21+s3+$0x0] =	vst.idx.msk vm8, v14  }
0x11c: {  	v14 =	vand.u32 $0x7, v5;
	v21 =	vand.u32 $0xFFFFFFF8, v25;
	v26 =	vsub.s32 v9, v1;
	v5 =	vld [tilespmem:s24+$0x20];
	[tilespmem:v2+s3+$0x0] =	vst.idx.msk vm7, v17  }
0x11d: {  	v27 =	vand.u32 $0x7, v7;
	v17 =	vand.u32 $0x7, v6;
	v28 =	vand.u32 $0xFFFFFFF8, v26;
	v2 =	vld [tilespmem:s24+$0x30];
	[tilespmem:v8+s3+$0x0] =	vst.idx.msk vm1, v16  }
0x11e: {  	v9 =	vand.u32 $0x7, v9;
	v29 =	vsub.s32 v23, v1;
	v23 =	vand.u32 $0x7, v23;
	v6 =	vld [tilespmem:s24+$0x40]  }
0x11f: {  	v30 =	vand.u32 $0xFFFFFFF8, v29;
	v31 =	vsub.s32 v3, v1;
	v32 =	vand.u32 $0x7, v3;
	v3 =	vld [tilespmem:s24+$0x50]  }
0x120: {  	v33 =	vand.u32 $0xFFFFFFF8, v31;
	v34 =	vsub.s32 v4, v1;
	v35 =	vand.u32 $0x7, v4;
	v4 =	vld [tilespmem:s24+$0x60]  }
0x121: {  	v7 =	vld [tilespmem:s24+$0xFFFFFF80];
	v36 =	vand.u32 $0xFFFFFFF8, v34;
	v37 =	vsub.s32 v5, v1;
	v38 =	vand.u32 $0x7, v5  }
0x122: {  	v39 =	vld [tilespmem:s22+$0xFFFFFF80];
	v40 =	vand.u32 $0xFFFFFFF8, v37;
	v41 =	vsub.s32 v2, v1;
	v42 =	vand.u32 $0x7, v2  }
0x123: {  	v43 =	vld [tilespmem:s22+$0xFFFFFF90];
	v44 =	vand.u32 $0xFFFFFFF8, v41;
	v45 =	vsub.s32 v6, v1;
	v46 =	vand.u32 $0x7, v6  }
0x124: {  	v47 =	vld [tilespmem:s22+$0xFFFFFFA0];
	v48 =	vand.u32 $0xFFFFFFF8, v45;
	v49 =	vsub.s32 v3, v1;
	v50 =	vand.u32 $0x7, v3  }
0x125: {  	v51 =	vld [tilespmem:s22+$0xFFFFFFB0];
	v52 =	vand.u32 $0xFFFFFFF8, v49;
	v53 =	vsub.s32 v4, v1;
	v2 =	vand.u32 $0x7, v4  }
0x126: {  	v5 =	vsub.s32 v7, v1;
	v6 =	vand.u32 $0x7, v7;
	v3 =	vld [tilespmem:s22+$0xFFFFFFC0];
	v4 =	vand.u32 $0xFFFFFFF8, v53  }
0x127: {  	vm0 =	vlt.u32 v11, $0x12000;
	vm8 =	vlt.u32 v5, $0x12000;
	v7 =	vand.u32 $0xFFFFFFF8, v5;
	v5 =	vld [tilespmem:s22+$0xFFFFFFD0]  }
0x128: {  	v55 =	vor.u32 v10, v13;
	vm4 =	vlt.u32 v15, $0x12000;
	v54 =	vor.u32 v6, v7;
	v6 =	vld [tilespmem:s22+$0xFFFFFFE0]  }
0x129: {  	v56 =	vor.u32 v12, v19;
	vm7 =	vlt.u32 v22, $0x12000;
	v57 =	vor.u32 v14, v20;
	v7 =	vld [tilespmem:s22+$0xFFFFFFF0]  }
0x12a: {  	vm2 =	vlt.u32 v24, $0x12000;
	v13 =	vor.u32 v17, v18;
	vm1 =	vlt.u32 v25, $0x12000;
	v8 =	vld [tilespmem:s22+$0x0]  }
0x12b: {  	v15 =	vor.u32 v27, v21;
	vm3 =	vlt.u32 v26, $0x12000;
	v16 =	vor.u32 v9, v28;
	v9 =	vld [tilespmem:s22+$0x10]  }
.Ltmp3:
0x12c: {  	vm5 =	vlt.u32 v29, $0x12000;
	v19 =	vor.u32 v23, v30;
	vm6 =	vlt.u32 v31, $0x12000;
	v11 =	vld [tilespmem:s22+$0x20];
	(pc) =	sbr.rel @p0 .LBB2_9-.Ltmp3, $4  }
0x12d: {  	v23 =	vor.u32 v32, v33;
	vm9 =	vlt.u32 v34, $0x12000;
	v22 =	vor.u32 v35, v36;
	[tilespmem:v54+s3+$0x0] =	vst.idx.msk vm8, v39;
	v10 =	vld [tilespmem:s22+$0x30]  }
0x12e: {  	vm10 =	vlt.u32 v37, $0x12000;
	v24 =	vor.u32 v38, v40;
	[tilespmem:v55+s3+$0x0] =	vst.idx.msk vm0, v43;
	vm0 =	vlt.u32 v41, $0x12000;
	v12 =	vld [tilespmem:s22+$0x40]  }
0x12f: {  	v20 =	vor.u32 v42, v44;
	v18 =	vor.u32 v46, v48;
	[tilespmem:v56+s3+$0x0] =	vst.idx.msk vm4, v47;
	vm4 =	vlt.u32 v45, $0x12000;
	v14 =	vld [tilespmem:s22+$0x50]  }
0x130: {  	s24 =	sadd.s32 $0x100, s24;
	v21 =	vor.u32 v50, v52;
	vm8 =	vlt.u32 v49, $0x12000;
	[tilespmem:v57+s3+$0x0] =	vst.idx.msk vm7, v51;
	v17 =	vld [tilespmem:s22+$0x60];
	vm7 =	vlt.u32 v53, $0x12000  }
0x131: {  	_ =	sdelay $0x4  }
0x132: {  	[tilespmem:v13+s3+$0x0] =	vst.idx.msk vm2, v3  }
0x133: {  	[tilespmem:v15+s3+$0x0] =	vst.idx.msk vm1, v5  }
0x134: {  	[tilespmem:v16+s3+$0x0] =	vst.idx.msk vm3, v6  }
0x135: {  	[tilespmem:v19+s3+$0x0] =	vst.idx.msk vm5, v7  }
0x136: {  	[tilespmem:v23+s3+$0x0] =	vst.idx.msk vm6, v8  }
0x137: {  	v1 =	vor.u32 v2, v4;
	[tilespmem:v22+s3+$0x0] =	vst.idx.msk vm9, v9  }
0x138: {  	[tilespmem:v24+s3+$0x0] =	vst.idx.msk vm10, v11  }
0x139: {  	[tilespmem:v20+s3+$0x0] =	vst.idx.msk vm0, v10  }
0x13a: {  	[tilespmem:v18+s3+$0x0] =	vst.idx.msk vm4, v12  }
0x13b: {  	s20 =	smul.u32 $0x24000, s20;
	s22 =	sshll.u32 s4, $0x6;
	[tilespmem:v21+s3+$0x0] =	vst.idx.msk vm8, v14  }
0x13c: {  	s23 =	sshrl.u32 s2, $0x3;
	s19 =	sadd.s32 $0x1, s19;
	s22 =	sor.u32 $0x1C03, s22;
	[tilespmem:v1+s3+$0x0] =	vst.idx.msk vm7, v17  }
0x13d: {  	[spmem:s2] =	stream.linear.scatter [tilespmem:s3], [sflag:$0x4], $0x9000, $0x38;
	[tilespmem:$0x1E900] =	vst v63  }
0x13e: {  	p0 =	sne.s32 s19, $0x18;
	s20 =	sadd.s32 s21, s20;
	_ =	swait.ge [sflag:s15], $0x9000  }
0x13f: {  	s21 =	sshrl.u32 s20, $0x3;
	s20 =	sadd.s32 $0x9000, s20;
	[sflag:s15] =	ssyncset.done $0x0  }
0x140: {  	s21 =	sadd.s32 s6, s21;
	s20 =	sshrl.u32 s20, $0x3;
	[sflag:s15] =	ssyncadd.s32 $0xFFFF7000  }
0x141: {  	[hbm:s21], [sflag:s22] =	dma.local [spmem:s23], $0x1200  }
.Ltmp4:
0x142: {  	s20 =	sadd.s32 s6, s20;
	(pc) =	sbr.rel @p0 .LBB2_2-.Ltmp4, $4  }
0x143: {  	[hbm4b:s20+s3] =	stream.linear.scatter [tilespmem:s16], [sflag:$0x4], $0x9000, $0x38;
	[tilespmem:$0x1E900] =	vst v63  }
0x144: {  	_ =	swait.ge [sflag:s15], $0x9000  }
0x145: {  	[sflag:s15] =	ssyncset.done $0x0  }
0x146: {  	[sflag:s15] =	ssyncadd.s32 $0xFFFF7000  }
0x147: {  	s18 =	sadd.s32 $0x1, s18  }
0x148: {  	p0 =	sne.s32 s18, s8  }
.Ltmp5:
0x149: {  	_ = 	snop;
	(pc) =	sbr.rel @p0 .LBB2_1-.Ltmp5, $4  }
0x14a: {  	_ = 	snop  }
0x14b: {  	_ =	swait.ge [sflag:s17], $0x1200  }
0x14c: {  	[sflag:s17] =	ssyncset.done $0x0  }
0x14d: {  	[sflag:s17] =	ssyncadd.s32 $0xFFFFEE00  }
0x14e: {  	_ =	sfence.sel $0x180000  }
0x14f: {  	[bflag:$0x0] =	sbarrier.arrive $0xFFFF  }
0x150: {  	p0 =	sne.s32 s4, $0x0;
	_ =	strace $0x9000004D  }
0x151: {  	s0 =	sadd.s32 @!p0 $0x100000, s0;
	[bflag:$0x2] =	sbarrier.arrive $0xFFFF  }
0x152: {  	[sflag:s0] =	ssyncadd.tile.s32 @!p0 $0x1;
	_ =	shalt  }
.Lfunc_end2:
_tile_overlayer_lowered:
.L_overlay_start_2:
0x153: {  	(tag) =	ssettag $0x2  }
0x154: {  	s0 =	rddreg [dreg:$0x0];
	s2 =	stileid.u32  }
0x155: {  	s1 =	rddreg [dreg:$0x1];
	p0 =	sne.s32 s2, $0x0  }
0x156: {  	s3 =	rddreg [dreg:$0x2];
	[bflag:$0x3] =	sbarrier.arrive $0xFFFF;
	s2 =	simm.s32 @!p0 $0x1C04  }
0x157: {  	[timem:s3], [sflag:s2] =	dma.local @!p0 [hbm:s0], s1  }
0x158: {  	s0 =	simm.s32 @!p0 $0x4  }
0x159: {  	_ =	swait.ge @!p0 [sflag:s0], s1  }
0x15a: {  	s1 =	ssub.s32 @!p0 $0x0, s1;
	[sflag:s0] =	ssyncset.done @!p0 $0x0  }
0x15b: {  	[sflag:s0] =	ssyncadd.s32 @!p0 s1  }
0x15c: {  	[bflag:$0x3] =	sbarrier.arrive $0xFFFF  }
0x15d: {  	_ =	shalt  }

// kernel: sparse-core-data-format-call.1.cloned.1.call-start
scs
called_computation.1_lowered:
.L_overlay_start_0:
0x0: {  	s2 =	sld [smem:$0x3FD9]  }
0x1: {  	s3 =	sld [smem:$0x3FFE];
	_ =	sdelay $0x1  }
0x2: {  	s1 =	srdreg.scid  }
0x3: {  	s0 =	sand.u32 $0x1, s1  }
0x4: {  	s18 =	sshll.u32 s0, $0xA;
	s2 =	sadd.s32 s3, s2  }
0x5: {  	s2 =	sadd.s32 s2, s18  }
0x6: {  	[smem:$0x3FC6] =	sst s2  }
0x7: {  	_ = 	snop  }
0x8: {  	s2 =	sld [smem:$0x3FC9];
	(tm) =	ssettm $0x1  }
0x9: {  	s19 =	sld [smem:$0x3FFB];
	_ =	sdelay $0x3  }
0xa: {  	_ =	strace s19  }
0xb: {  	s3 =	sld [smem:$0x3FFC];
	_ =	sdelay $0x3  }
0xc: {  	_ =	strace s3  }
0xd: {  	s3 =	sld [smem:$0x3FFD];
	_ =	sdelay $0x3  }
0xe: {  	_ =	strace s3  }
0xf: {  	_ =	strace $0x8FFFFFFF  }
0x10: {  	s20 =	sld [smem:$0x3FDB];
	_ =	sdelay $0x1  }
0x11: {  	s4 =	simm.s32 $_scs_section_size  }
0x12: {  	s5 =	simm.s32 $_size__tile_overlayer_lowered;
	s6 =	simm.s32 $_tile_overlayer_lowered  }
0x13: {  	s23 =	simm.s32 $0x1BFF;
	s22 =	sshll.u32 s6, $0x1;
	s3 =	sadd.s32 s4, s20  }
0x14: {  	s7 =	simm.s32 $0x0;
	s21 =	sshll.u32 s5, $0x1;
	s5 =	sadd.s32 s22, s3  }
0x15: {  	[timem:s7], [sflag:s23] =	dma.local [hbm:s5], s21  }
0x16: {  	_ =	swait.ge [sflag:s23], s21  }
0x17: {  	s4 =	ssub.s32 $0x0, s21;
	[sflag:s23] =	ssyncset.done $0x0  }
0x18: {  	[sflag:s23] =	ssyncadd.s32 s4;
	_ =	sdelay $0x1  }
0x19: {  	s24 =	simm.s32 $0x1B8B  }
0x1a: {  	_ =	swait.ge [sflag:s24], $0x1  }
0x1b: {  	[sflag:s24] =	ssyncset.done $0x0  }
0x1c: {  	s26 =	simm.s32 $0x1B8E;
	s25 =	sld [smem:$0x3FFE];
	[sflag:s24] =	ssyncadd.s32 $0xFFFFFFFF  }
0x1d: {  	s27 =	simm.s32 $execute0_lowered;
	[smem:$0x3FD2] =	sst s26  }
0x1e: {  	s5 =	sshll.u32 s27, $0x1;
	_ =	strace $0x80000046;
	[dreg:$0x1] =	wrdreg $0xFFFFFFFF  }
0x1f: {  	s28 =	simm.s32 $_size_execute0_lowered;
	s3 =	sadd.s32 s3, s5;
	[dreg:$0x0] =	wrdreg $0x0  }
0x20: {  	s5 =	sshll.u32 s28, $0x1;
	[dreg:$0x2] =	wrdreg s3  }
0x21: {  	[dreg:$0x3] =	wrdreg s5  }
0x22: {  	[dreg:$0x4] =	wrdreg $0xC0  }
0x23: {  	_ =	task [dreg:s7], $0x5FFFF  }
0x24: {  	[dreg:$0x1] =	wrdreg $0xFFFFFFFF  }
0x25: {  	[dreg:$0x0] =	wrdreg $0x60  }
0x26: {  	[dreg:$0x2] =	wrdreg s2  }
0x27: {  	[dreg:$0x3] =	wrdreg s25  }
0x28: {  	[dreg:$0x4] =	wrdreg $0xA  }
0x29: {  	_ =	task.clear_ibuf [dreg:s7], $0x5FFFF;
	_ =	strace $0x90000046  }
0x2a: {  	s29 =	simm.s32 $0xA;
	_ =	strace $0x80000048  }
0x2b: {  	_ =	swait.ge [sflag:s29], $0x1  }
0x2c: {  	[sflag:s29] =	ssyncadd.s32 $0xFFFFFFFF  }
0x2d: {  	_ =	strace $0x90000048  }
0x2e: {  	_ =	sfence  }
0x2f: {  	s30 =	sld [smem:$0x0];
	_ =	sdelay $0x2  }
0x30: {  	s31 =	sshll.u32 s1, $0xD;
	s1 =	sshrl.u32 s1, $0x2  }
0x31: {  	s3 =	sand.u32 $0x4000, s31;
	s1 =	sadd.s32 s1, s30  }
0x32: {  	s0 =	sor.u32 s3, s0;
	s1 =	sshll.u32 s1, $0x11  }
0x33: {  	s0 =	sor.u32 s1, s0  }
0x34: {  	s0 =	sadd.s32 $0x8F2B, s0  }
0x35: {  	[sflag:s0] =	ssyncadd.remote.s32 $0x1  }
0x36: {  	_ =	sfence.sel $0xFFFF  }
0x37: {  	[dreg:$0x0] =	wrdreg $0xFFFFFFFF;
	(pc) =	sbr.abs _section_cstart, $3  }
0x38: {  	[dreg:$0x1] =	wrdreg $0xFFFFFFFF  }
0x39: {  	_ =	task.clear_ibuf [dreg:s7], $0x2FFFF;
	_ =	strace $0x9FFFFFFF  }
0x3a: {  	(tm) =	ssettm $0x7FFFFFFF  }
0x3b: {  	_ =	shalt  }
tec
execute0_lowered:
.L_overlay_start_1:
0x0: {  	(tag) =	ssettag $0x1  }
0x1: {  	s2 =	rddreg [dreg:$0x0]  }
0x2: {  	s0 =	srdreg.scid;
	s6 =	rddreg [dreg:$0x1]  }
0x3: {  	s7 =	simm.s32 $0x2;
	s14 =	simm.s32 $0x0;
	s1 =	sshll.u32 s0, $0x4  }
0x4: {  	s8 =	simm.s32 $0x800;
	s0 =	stileid.u32;
	s1 =	sand.u32 $0x10, s1  }
0x5: {  	s9 =	simm.s32 $0x9000;
	s10 =	simm.s32 $0x0;
	s3 =	sor.u32 s0, s1  }
.Ltmp0:
0x6: {  	s15 =	simm.s32 $0x0;
	s4 =	ssub.s32 $0x4F, s3;
	(pc) =	sbr.rel .LBB1_1-.Ltmp0, $4  }
0x7: {  	s11 =	simm.s32 $0x0;
	s1 =	rddreg [dreg:$0x2];
	s5 =	sshrl.u32 s4, $0x5  }
0x8: {  	_ =	strace $0x80000047;
	s4 =	simm.s32 $0x1;
	s5 =	smul.u32 $0x12, s5  }
0x9: {  	s13 =	simm.s32 $0x0;
	s6 =	sadd.s32 $0xC00, s6;
	[sflag:s4] =	ssyncpa.u1 $0x0  }
0xa: {  	s12 =	smov.u32 s3;
	[sflag:s7] =	ssyncpa.u1 $0x0;
	s7 =	sor.u32 $0x1, s5  }
.LBB1_7:
0xb: {  	s16 =	sadd.s32 $0x10, s11  }
0xc: {  	s14 =	sadd.s32 $0x20, s12;
	s18 =	smov.u32 s12;
	p1 =	sgt.s32 s16, $0x11F  }
0xd: {  	s18 =	smov.u32 @p1 s14  }
0xe: {  	s16 =	simm.s32 @p1 $0x0;
	p1 =	sgt.s32 s18, $0x2F  }
0xf: {  	s18 =	smov.u32 @p1 s3;
	p1 =	sne.s32 s13, s7  }
.Ltmp1:
0x10: {  	p0 =	slt.u32 s13, $0x2;
	(pc) =	sbr.rel @!p1 .LBB1_8-.Ltmp1, $4  }
0x11: {  	s17 =	simm.s32 @!p0 $0x2  }
0x12: {  	s15 =	smov.u32 s12;
	s10 =	sadd.s32 $0x4000, s10;
	_ =	swait.ge @!p0 [sflag:s17], $0x4000  }
0x13: {  	s14 =	smov.u32 s11;
	[sflag:s17] =	ssyncset.done @!p0 $0x0;
	s11 =	smov.u32 s16  }
0x14: {  	s13 =	sadd.s32 $0x1, s13;
	[sflag:s17] =	ssyncadd.s32 @!p0 $0xFFFFC000;
	s12 =	smov.u32 s18  }
.LBB1_1:
0x15: {  	p0 =	sge.u32 s13, s5  }
0x16: {  	s16 =	smul.u32 @!p0 $0x9000, s12  }
0x17: {  	s31 =	sadd.s32 $0xFFFFFFFF, s13;
	s17 =	sxor.u32 @!p0 $0xFFFFFFFF, s13  }
0x18: {  	s18 =	sshll.u32 @!p0 s11, $0x7;
	s17 =	sshll.u32 @!p0 s17, $0xE;
	s16 =	sadd.s32 @!p0 s2, s16  }
0x19: {  	s17 =	sand.u32 @!p0 $0x4000, s17;
	s16 =	sadd.s32 @!p0 s18, s16;
	s18 =	simm.s32 @!p0 $0x0  }
0x1a: {  	[tilespmem:s17], [sflag:$0x1] =	stream.linear.gather @!p0 [hbm4b:s16+s18], $0x4000, $0x38;
	[tilespmem:$0x10000] =	vst v63  }
0x1b: {  	p0 =	sge.u32 s31, s5  }
.Ltmp2:
0x1c: {  	_ = 	snop;
	(pc) =	sbr.rel @p0 .LBB1_7-.Ltmp2, $1  }
0x1d: {  	_ =	sdelay $0x3  }
0x1e: {  	s16 =	sand.u32 $0x4000, s10  }
0x1f: {  	_ =	swait.ge [sflag:s4], $0x4000;
	s19 =	sshll.u32 s13, $0xE;
	s17 =	sor.u32 $0x8040, s16  }
0x20: {  	s18 =	sor.u32 $0x40, s16;
	[sflag:s4] =	ssyncset.done $0x0;
	s31 =	sand.u32 $0x4000, s19  }
0x21: {  	s19 =	simm.s32 $0x0;
	[sflag:s4] =	ssyncadd.s32 $0xFFFFC000;
	s16 =	sor.u32 $0x8000, s31  }
.LBB1_3:
0x22: {  	v0 =	vmov s18;
	_ =	sdelay $0x3  }
0x23: {  	s21 =	simm.s32 $0x0  }
0x24: {  	v6 =	vld.idx.msk [tilespmem:v0+s21+$0x30 ss:$0x1], $0xffff  }
0x25: {  	v7 =	vld.idx.msk [tilespmem:v0+s21+$0xFFFFFFC0 ss:$0x1], $0xffff  }
0x26: {  	v5 =	vld.idx.msk [tilespmem:v0+s21+$0xFFFFFFD0 ss:$0x1], $0xffff  }
0x27: {  	v4 =	vld.idx.msk [tilespmem:v0+s21+$0xFFFFFFE0 ss:$0x1], $0xffff  }
0x28: {  	v3 =	vld.idx.msk [tilespmem:v0+s21+$0xFFFFFFF0 ss:$0x1], $0xffff  }
0x29: {  	v1 =	vld.idx.msk [tilespmem:v0+s21+$0x0 ss:$0x1], $0xffff  }
0x2a: {  	v2 =	vld.idx.msk [tilespmem:v0+s21+$0x10 ss:$0x1], $0xffff;
	[tilespmem:s17+$0x30] =	vst v6  }
0x2b: {  	s20 =	simm.s32 $0x80;
	s22 =	simm.s32 $0x400;
	[tilespmem:s17+$0xFFFFFFC0] =	vst v7;
	v6 =	vld.idx.msk [tilespmem:v0+s21+$0x20 ss:$0x1], $0xffff;
	s21 =	smov.u32 s17  }
.LBB1_4:
0x2c: {  	p0 =	sne.s32 s22, $0xE00;
	v7 =	vld.idx.msk [tilespmem:v0+s20+$0x30 ss:$0x1], $0xffff;
	[tilespmem:s21+$0xFFFFFFD0] =	vst v5  }
0x2d: {  	v8 =	vld.idx.msk [tilespmem:v0+s20+$0xFFFFFFC0 ss:$0x1], $0xffff;
	[tilespmem:s21+$0xFFFFFFE0] =	vst v4  }
0x2e: {  	v5 =	vld.idx.msk [tilespmem:v0+s20+$0xFFFFFFD0 ss:$0x1], $0xffff;
	[tilespmem:s21+$0xFFFFFFF0] =	vst v3  }
.Ltmp3:
0x2f: {  	v4 =	vld.idx.msk [tilespmem:v0+s20+$0xFFFFFFE0 ss:$0x1], $0xffff;
	[tilespmem:s21+$0x0] =	vst v1;
	(pc) =	sbr.rel @p0 .LBB1_4-.Ltmp3, $4  }
0x30: {  	v3 =	vld.idx.msk [tilespmem:v0+s20+$0xFFFFFFF0 ss:$0x1], $0xffff;
	[tilespmem:s21+$0x10] =	vst v2  }
0x31: {  	v1 =	vld.idx.msk [tilespmem:v0+s20+$0x0 ss:$0x1], $0xffff;
	[tilespmem:s21+$0x20] =	vst v6;
	s21 =	sadd.s32 $0x800, s21  }
0x32: {  	v2 =	vld.idx.msk [tilespmem:v0+s20+$0x10 ss:$0x1], $0xffff;
	[tilespmem:s21+$0x30] =	vst v7  }
0x33: {  	[tilespmem:s21+$0xFFFFFFC0] =	vst v8;
	v6 =	vld.idx.msk [tilespmem:v0+s20+$0x20 ss:$0x1], $0xffff;
	s20 =	sshra.s32 s22, $0x2;
	s22 =	sadd.s32 $0x200, s22  }
0x34: {  	_ =	sdelay $0x2  }
0x35: {  	[tilespmem:s21+$0xFFFFFFD0] =	vst v5  }
0x36: {  	v56 =	vld.idx.msk [tilespmem:v0+s20+$0x30 ss:$0x1], $0xffff;
	[tilespmem:s21+$0xFFFFFFE0] =	vst v4  }
0x37: {  	v57 =	vld.idx.msk [tilespmem:v0+s20+$0xFFFFFFC0 ss:$0x1], $0xffff;
	[tilespmem:s21+$0xFFFFFFF0] =	vst v3  }
0x38: {  	v58 =	vld.idx.msk [tilespmem:v0+s20+$0xFFFFFFD0 ss:$0x1], $0xffff;
	[tilespmem:s21+$0x0] =	vst v1  }
0x39: {  	v59 =	vld.idx.msk [tilespmem:v0+s20+$0xFFFFFFE0 ss:$0x1], $0xffff;
	[tilespmem:s21+$0x10] =	vst v2  }
0x3a: {  	v60 =	vld.idx.msk [tilespmem:v0+s20+$0xFFFFFFF0 ss:$0x1], $0xffff;
	s31 =	sadd.s32 $0x800, s21;
	[tilespmem:s21+$0x20] =	vst v6  }
0x3b: {  	v61 =	vld.idx.msk [tilespmem:v0+s20+$0x0 ss:$0x1], $0xffff;
	[tilespmem:s31+$0x30] =	vst v56  }
0x3c: {  	v62 =	vld.idx.msk [tilespmem:v0+s20+$0x10 ss:$0x1], $0xffff;
	s19 =	sadd.s32 $0x1, s19;
	[tilespmem:s31+$0xFFFFFFC0] =	vst v57  }
0x3d: {  	v63 =	vld.idx.msk [tilespmem:v0+s20+$0x20 ss:$0x1], $0xffff;
	p0 =	sne.s32 s19, $0x10;
	[tilespmem:s31+$0xFFFFFFD0] =	vst v58  }
.Ltmp4:
0x3e: {  	[tilespmem:s31+$0xFFFFFFE0] =	vst v59;
	(pc) =	sbr.rel @p0 .LBB1_3-.Ltmp4, $4  }
0x3f: {  	[tilespmem:s31+$0xFFFFFFF0] =	vst v60  }
0x40: {  	[tilespmem:s31+$0x0] =	vst v61  }
0x41: {  	[tilespmem:s31+$0x10] =	vst v62  }
0x42: {  	s17 =	sadd.s32 $0x80, s17;
	s18 =	sadd.s32 $0x400, s18;
	[tilespmem:s31+$0x20] =	vst v63  }
0x43: {  	s14 =	sand.u32 $0x1FFFFFF, s14  }
0x44: {  	s17 =	smulhi.u32 $0xE38E39, s14  }
0x45: {  	s15 =	smul.u32 $0x9000, s15  }
0x46: {  	s17 =	smul.u32 $0x120, s17  }
.Ltmp5:
0x47: {  	_ = 	snop;
	(pc) =	sbr.rel .LBB1_7-.Ltmp5, $4  }
0x48: {  	s14 =	ssub.s32 s14, s17  }
0x49: {  	s15 =	sadd.s32 s6, s15;
	s14 =	sshll.u32 s14, $0x4  }
0x4a: {  	s14 =	sadd.s32 s14, s15  }
0x4b: {  	[hbm4b:s14+s8] =	stream.strided.scatter [tilespmem:s16], [sflag:$0x2], $0x4000, s9, s8, $0x38;
	[tilespmem:$0x10000] =	vst v63  }
.LBB1_8:
0x4c: {  	_ =	sfence.sel $0x180000  }
0x4d: {  	s2 =	simm.s32 $0x1;
	[bflag:$0x0] =	sbarrier.arrive $0xFFFF  }
0x4e: {  	s31 =	simm.s32 $0x2;
	[sflag:s2] =	ssyncpa.u1 $0x1  }
0x4f: {  	[sflag:s31] =	ssyncpa.u1 $0x1  }
0x50: {  	p0 =	sne.s32 s0, $0x0;
	_ =	strace $0x90000047  }
0x51: {  	s0 =	sadd.s32 @!p0 $0x100000, s1;
	[bflag:$0x2] =	sbarrier.arrive $0xFFFF  }
0x52: {  	[sflag:s0] =	ssyncadd.tile.s32 @!p0 $0x1;
	_ =	shalt  }
.Lfunc_end1:
_tile_overlayer_lowered:
.L_overlay_start_2:
0x53: {  	(tag) =	ssettag $0x2  }
0x54: {  	s0 =	rddreg [dreg:$0x0];
	s2 =	stileid.u32  }
0x55: {  	s1 =	rddreg [dreg:$0x1];
	p0 =	sne.s32 s2, $0x0  }
0x56: {  	s3 =	rddreg [dreg:$0x2];
	[bflag:$0x3] =	sbarrier.arrive $0xFFFF;
	s2 =	simm.s32 @!p0 $0x1C01  }
0x57: {  	[timem:s3], [sflag:s2] =	dma.local @!p0 [hbm:s0], s1  }
0x58: {  	s0 =	simm.s32 @!p0 $0x1  }
0x59: {  	_ =	swait.ge @!p0 [sflag:s0], s1  }
0x5a: {  	s1 =	ssub.s32 @!p0 $0x0, s1;
	[sflag:s0] =	ssyncset.done @!p0 $0x0  }
0x5b: {  	[sflag:s0] =	ssyncadd.s32 @!p0 s1  }
0x5c: {  	[bflag:$0x3] =	sbarrier.arrive $0xFFFF  }
0x5d: {  	_ =	shalt  }

// kernel: sparse-core-data-format-call.cloned.1.call-start
scs
called_computation_lowered:
.L_overlay_start_0:
0x0: {  	s2 =	sld [smem:$0x3FD9]  }
0x1: {  	s3 =	sld [smem:$0x3FFE];
	_ =	sdelay $0x1  }
0x2: {  	s1 =	srdreg.scid  }
0x3: {  	s0 =	sand.u32 $0x1, s1  }
0x4: {  	s19 =	sshll.u32 s0, $0xA;
	s2 =	sadd.s32 s3, s2  }
0x5: {  	s2 =	sadd.s32 s2, s19  }
0x6: {  	[smem:$0x3FC6] =	sst s2  }
0x7: {  	_ = 	snop  }
0x8: {  	s20 =	sld [smem:$0x3FC8]  }
0x9: {  	s4 =	sld [smem:$0x3FD0];
	(tm) =	ssettm $0x1  }
0xa: {  	s21 =	sld [smem:$0x3FFB];
	_ =	sdelay $0x3  }
0xb: {  	_ =	strace s21  }
0xc: {  	s2 =	sld [smem:$0x3FFC];
	_ =	sdelay $0x3  }
0xd: {  	_ =	strace s2  }
0xe: {  	s2 =	sld [smem:$0x3FFD];
	_ =	sdelay $0x3  }
0xf: {  	_ =	strace s2  }
0x10: {  	_ =	strace $0x8FFFFFFF  }
0x11: {  	s22 =	sld [smem:$0x3FDB];
	_ =	sdelay $0x1  }
0x12: {  	s5 =	simm.s32 $_scs_section_size  }
0x13: {  	s6 =	simm.s32 $_size__tile_overlayer_lowered;
	s7 =	simm.s32 $_tile_overlayer_lowered  }
0x14: {  	s8 =	simm.s32 $0x1BFF;
	s23 =	sshll.u32 s7, $0x1;
	s5 =	sadd.s32 s5, s22  }
0x15: {  	s24 =	simm.s32 $0x0;
	s6 =	sshll.u32 s6, $0x1;
	s7 =	sadd.s32 s23, s5  }
0x16: {  	[timem:s24], [sflag:s8] =	dma.local [hbm:s7], s6  }
0x17: {  	_ =	swait.ge [sflag:s8], s6  }
0x18: {  	s6 =	ssub.s32 $0x0, s6;
	[sflag:s8] =	ssyncset.done $0x0  }
0x19: {  	[sflag:s8] =	ssyncadd.s32 s6;
	_ =	sdelay $0x1  }
0x1a: {  	s25 =	simm.s32 $0x1B8B  }
0x1b: {  	_ =	swait.ge [sflag:s25], $0x1  }
0x1c: {  	[sflag:s25] =	ssyncset.done $0x0  }
0x1d: {  	[sflag:s25] =	ssyncadd.s32 $0xFFFFFFFF  }
0x1e: {  	s6 =	sld [smem:$0x0]  }
0x1f: {  	s7 =	sand.u32 $0xFFFFFFFE, s1  }
0x20: {  	p0 =	sne.s32 s1, s7  }
0x21: {  	s7 =	sshll.u32 @p0 s7, $0xE  }
0x22: {  	s7 =	sadd.s32 @p0 $0x11B8D, s7;
	s8 =	sshll.u32 @p0 s6, $0x11  }
0x23: {  	s7 =	sor.u32 @p0 s8, s7  }
0x24: {  	[sflag:s7] =	ssyncadd.remote.s32 @p0 $0x1;
	_ =	sdelay $0x1  }
0x25: {  	s7 =	simm.s32 @p0 $0x1B8D  }
0x26: {  	_ =	swait.eq @p0 [sflag:s7], $0x1  }
0x27: {  	[sflag:s7] =	ssyncadd.s32 @p0 $0xFFFFFFFF  }
0x28: {  	s8 =	sshll.u32 @!p0 s1, $0xE  }
0x29: {  	s8 =	sor.u32 @!p0 $0x4000, s8;
	s7 =	simm.s32 @!p0 $0x1B8D  }
0x2a: {  	s6 =	sshll.u32 @!p0 s6, $0x11;
	s8 =	sadd.s32 @!p0 $0x11B8D, s8;
	_ =	swait.eq @!p0 [sflag:s7], $0x1  }
0x2b: {  	s6 =	sor.u32 @!p0 s6, s8;
	[sflag:s7] =	ssyncadd.s32 @!p0 $0xFFFFFFFF  }
0x2c: {  	s26 =	simm.s32 $0x1B8E;
	[sflag:s6] =	ssyncadd.remote.s32 @!p0 $0x1  }
0x2d: {  	s27 =	simm.s32 $execute0_lowered;
	[smem:$0x3FD2] =	sst s26  }
0x2e: {  	s6 =	sshll.u32 s27, $0x1;
	_ =	strace $0x80000049;
	[dreg:$0x1] =	wrdreg $0xFFFFFFFF  }
0x2f: {  	s28 =	simm.s32 $_size_execute0_lowered;
	s5 =	sadd.s32 s5, s6;
	[dreg:$0x0] =	wrdreg $0x0  }
0x30: {  	s6 =	sshll.u32 s28, $0x1;
	[dreg:$0x2] =	wrdreg s5  }
0x31: {  	[dreg:$0x3] =	wrdreg s6  }
0x32: {  	[dreg:$0x4] =	wrdreg $0xC0  }
0x33: {  	_ =	task [dreg:s24], $0x5FFFF  }
0x34: {  	[dreg:$0x1] =	wrdreg $0xFFFFFFFF  }
0x35: {  	[dreg:$0x0] =	wrdreg $0x60  }
0x36: {  	[dreg:$0x2] =	wrdreg s20  }
0x37: {  	[dreg:$0x3] =	wrdreg s4  }
0x38: {  	[dreg:$0x4] =	wrdreg $0x9  }
0x39: {  	_ =	task.clear_ibuf [dreg:s24], $0x5FFFF;
	_ =	strace $0x90000049  }
0x3a: {  	s29 =	simm.s32 $0x9;
	_ =	strace $0x8000004B  }
0x3b: {  	_ =	swait.ge [sflag:s29], $0x1  }
0x3c: {  	[sflag:s29] =	ssyncadd.s32 $0xFFFFFFFF  }
0x3d: {  	_ =	strace $0x9000004B  }
0x3e: {  	_ =	sfence  }
0x3f: {  	s30 =	sld [smem:$0x0];
	_ =	sdelay $0x2  }
0x40: {  	s31 =	sshll.u32 s1, $0xD;
	s1 =	sshrl.u32 s1, $0x2  }
0x41: {  	s4 =	sand.u32 $0x4000, s31;
	s1 =	sadd.s32 s1, s30  }
0x42: {  	s0 =	sor.u32 s4, s0;
	s1 =	sshll.u32 s1, $0x11  }
0x43: {  	s0 =	sor.u32 s1, s0  }
0x44: {  	s0 =	sadd.s32 $0x8F2B, s0  }
0x45: {  	[sflag:s0] =	ssyncadd.remote.s32 $0x1  }
0x46: {  	_ =	sfence.sel $0xFFFF  }
0x47: {  	[dreg:$0x0] =	wrdreg $0xFFFFFFFF;
	(pc) =	sbr.abs _section_cstart, $3  }
0x48: {  	[dreg:$0x1] =	wrdreg $0xFFFFFFFF  }
0x49: {  	_ =	task.clear_ibuf [dreg:s24], $0x2FFFF;
	_ =	strace $0x9FFFFFFF  }
0x4a: {  	(tm) =	ssettm $0x7FFFFFFF  }
0x4b: {  	_ =	shalt  }
tec
execute0_lowered:
.L_overlay_start_1:
0x0: {  	(tag) =	ssettag $0x1  }
0x1: {  	s0 =	srdreg.scid;
	s2 =	rddreg [dreg:$0x0]  }
0x2: {  	s4 =	rddreg [dreg:$0x1];
	s7 =	simm.s32 $0x2;
	s1 =	sshll.u32 s0, $0x4  }
0x3: {  	s14 =	simm.s32 $0x0;
	s0 =	stileid.u32;
	s1 =	sand.u32 $0x10, s1  }
0x4: {  	s8 =	simm.s32 $0x800;
	s9 =	simm.s32 $0x9000;
	s3 =	sor.u32 s0, s1  }
.Ltmp0:
0x5: {  	s10 =	simm.s32 $0x0;
	s5 =	ssub.s32 $0x4F, s3;
	(pc) =	sbr.rel .LBB1_1-.Ltmp0, $4  }
0x6: {  	s15 =	simm.s32 $0x0;
	s1 =	rddreg [dreg:$0x2];
	s6 =	sshrl.u32 s5, $0x5  }
0x7: {  	_ =	strace $0x8000004A;
	s5 =	simm.s32 $0x1;
	s6 =	smul.u32 $0x12, s6  }
0x8: {  	s11 =	simm.s32 $0x0;
	s13 =	simm.s32 $0x0;
	[sflag:s5] =	ssyncpa.u1 $0x0  }
0x9: {  	s12 =	smov.u32 s3;
	[sflag:s7] =	ssyncpa.u1 $0x0;
	s7 =	sor.u32 $0x1, s6  }
.LBB1_7:
0xa: {  	s16 =	sadd.s32 $0x10, s11  }
0xb: {  	s14 =	sadd.s32 $0x20, s12;
	s18 =	smov.u32 s12;
	p1 =	sgt.s32 s16, $0x11F  }
0xc: {  	s18 =	smov.u32 @p1 s14  }
0xd: {  	s16 =	simm.s32 @p1 $0x0;
	p1 =	sgt.s32 s18, $0x2F  }
0xe: {  	s18 =	smov.u32 @p1 s3;
	p1 =	sne.s32 s13, s7  }
.Ltmp1:
0xf: {  	p0 =	slt.u32 s13, $0x2;
	(pc) =	sbr.rel @!p1 .LBB1_8-.Ltmp1, $4  }
0x10: {  	s17 =	simm.s32 @!p0 $0x2  }
0x11: {  	s15 =	smov.u32 s12;
	s10 =	sadd.s32 $0x4000, s10;
	_ =	swait.ge @!p0 [sflag:s17], $0x4000  }
0x12: {  	s14 =	smov.u32 s11;
	[sflag:s17] =	ssyncset.done @!p0 $0x0;
	s11 =	smov.u32 s16  }
0x13: {  	s13 =	sadd.s32 $0x1, s13;
	[sflag:s17] =	ssyncadd.s32 @!p0 $0xFFFFC000;
	s12 =	smov.u32 s18  }
.LBB1_1:
0x14: {  	p0 =	sge.u32 s13, s6  }
0x15: {  	s16 =	smul.u32 @!p0 $0x9000, s12  }
0x16: {  	s31 =	sadd.s32 $0xFFFFFFFF, s13;
	s17 =	sxor.u32 @!p0 $0xFFFFFFFF, s13  }
0x17: {  	s18 =	sshll.u32 @!p0 s11, $0x7;
	s17 =	sshll.u32 @!p0 s17, $0xE;
	s16 =	sadd.s32 @!p0 s2, s16  }
0x18: {  	s17 =	sand.u32 @!p0 $0x4000, s17;
	s16 =	sadd.s32 @!p0 s18, s16;
	s18 =	simm.s32 @!p0 $0x0  }
0x19: {  	[tilespmem:s17], [sflag:$0x1] =	stream.linear.gather @!p0 [hbm4b:s16+s18], $0x4000, $0x38;
	[tilespmem:$0x10000] =	vst v63  }
0x1a: {  	p0 =	sge.u32 s31, s6  }
.Ltmp2:
0x1b: {  	_ = 	snop;
	(pc) =	sbr.rel @p0 .LBB1_7-.Ltmp2, $1  }
0x1c: {  	_ =	sdelay $0x3  }
0x1d: {  	s16 =	sand.u32 $0x4000, s10  }
0x1e: {  	_ =	swait.ge [sflag:s5], $0x4000;
	s19 =	sshll.u32 s13, $0xE;
	s17 =	sor.u32 $0x8040, s16  }
0x1f: {  	s18 =	sor.u32 $0x40, s16;
	[sflag:s5] =	ssyncset.done $0x0;
	s31 =	sand.u32 $0x4000, s19  }
0x20: {  	s19 =	simm.s32 $0x0;
	[sflag:s5] =	ssyncadd.s32 $0xFFFFC000;
	s16 =	sor.u32 $0x8000, s31  }
.LBB1_3:
0x21: {  	v0 =	vmov s18;
	_ =	sdelay $0x3  }
0x22: {  	s21 =	simm.s32 $0x0  }
0x23: {  	v6 =	vld.idx.msk [tilespmem:v0+s21+$0x30 ss:$0x1], $0xffff  }
0x24: {  	v7 =	vld.idx.msk [tilespmem:v0+s21+$0xFFFFFFC0 ss:$0x1], $0xffff  }
0x25: {  	v5 =	vld.idx.msk [tilespmem:v0+s21+$0xFFFFFFD0 ss:$0x1], $0xffff  }
0x26: {  	v4 =	vld.idx.msk [tilespmem:v0+s21+$0xFFFFFFE0 ss:$0x1], $0xffff  }
0x27: {  	v3 =	vld.idx.msk [tilespmem:v0+s21+$0xFFFFFFF0 ss:$0x1], $0xffff  }
0x28: {  	v1 =	vld.idx.msk [tilespmem:v0+s21+$0x0 ss:$0x1], $0xffff  }
0x29: {  	v2 =	vld.idx.msk [tilespmem:v0+s21+$0x10 ss:$0x1], $0xffff;
	[tilespmem:s17+$0x30] =	vst v6  }
0x2a: {  	s20 =	simm.s32 $0x80;
	s22 =	simm.s32 $0x400;
	[tilespmem:s17+$0xFFFFFFC0] =	vst v7;
	v6 =	vld.idx.msk [tilespmem:v0+s21+$0x20 ss:$0x1], $0xffff;
	s21 =	smov.u32 s17  }
.LBB1_4:
0x2b: {  	p0 =	sne.s32 s22, $0xE00;
	v7 =	vld.idx.msk [tilespmem:v0+s20+$0x30 ss:$0x1], $0xffff;
	[tilespmem:s21+$0xFFFFFFD0] =	vst v5  }
0x2c: {  	v8 =	vld.idx.msk [tilespmem:v0+s20+$0xFFFFFFC0 ss:$0x1], $0xffff;
	[tilespmem:s21+$0xFFFFFFE0] =	vst v4  }
0x2d: {  	v5 =	vld.idx.msk [tilespmem:v0+s20+$0xFFFFFFD0 ss:$0x1], $0xffff;
	[tilespmem:s21+$0xFFFFFFF0] =	vst v3  }
.Ltmp3:
0x2e: {  	v4 =	vld.idx.msk [tilespmem:v0+s20+$0xFFFFFFE0 ss:$0x1], $0xffff;
	[tilespmem:s21+$0x0] =	vst v1;
	(pc) =	sbr.rel @p0 .LBB1_4-.Ltmp3, $4  }
0x2f: {  	v3 =	vld.idx.msk [tilespmem:v0+s20+$0xFFFFFFF0 ss:$0x1], $0xffff;
	[tilespmem:s21+$0x10] =	vst v2  }
0x30: {  	v1 =	vld.idx.msk [tilespmem:v0+s20+$0x0 ss:$0x1], $0xffff;
	[tilespmem:s21+$0x20] =	vst v6;
	s21 =	sadd.s32 $0x800, s21  }
0x31: {  	v2 =	vld.idx.msk [tilespmem:v0+s20+$0x10 ss:$0x1], $0xffff;
	[tilespmem:s21+$0x30] =	vst v7  }
0x32: {  	[tilespmem:s21+$0xFFFFFFC0] =	vst v8;
	v6 =	vld.idx.msk [tilespmem:v0+s20+$0x20 ss:$0x1], $0xffff;
	s20 =	sshra.s32 s22, $0x2;
	s22 =	sadd.s32 $0x200, s22  }
0x33: {  	_ =	sdelay $0x2  }
0x34: {  	[tilespmem:s21+$0xFFFFFFD0] =	vst v5  }
0x35: {  	v56 =	vld.idx.msk [tilespmem:v0+s20+$0x30 ss:$0x1], $0xffff;
	[tilespmem:s21+$0xFFFFFFE0] =	vst v4  }
0x36: {  	v57 =	vld.idx.msk [tilespmem:v0+s20+$0xFFFFFFC0 ss:$0x1], $0xffff;
	[tilespmem:s21+$0xFFFFFFF0] =	vst v3  }
0x37: {  	v58 =	vld.idx.msk [tilespmem:v0+s20+$0xFFFFFFD0 ss:$0x1], $0xffff;
	[tilespmem:s21+$0x0] =	vst v1  }
0x38: {  	v59 =	vld.idx.msk [tilespmem:v0+s20+$0xFFFFFFE0 ss:$0x1], $0xffff;
	[tilespmem:s21+$0x10] =	vst v2  }
0x39: {  	v60 =	vld.idx.msk [tilespmem:v0+s20+$0xFFFFFFF0 ss:$0x1], $0xffff;
	s31 =	sadd.s32 $0x800, s21;
	[tilespmem:s21+$0x20] =	vst v6  }
0x3a: {  	v61 =	vld.idx.msk [tilespmem:v0+s20+$0x0 ss:$0x1], $0xffff;
	[tilespmem:s31+$0x30] =	vst v56  }
0x3b: {  	v62 =	vld.idx.msk [tilespmem:v0+s20+$0x10 ss:$0x1], $0xffff;
	s19 =	sadd.s32 $0x1, s19;
	[tilespmem:s31+$0xFFFFFFC0] =	vst v57  }
0x3c: {  	v63 =	vld.idx.msk [tilespmem:v0+s20+$0x20 ss:$0x1], $0xffff;
	p0 =	sne.s32 s19, $0x10;
	[tilespmem:s31+$0xFFFFFFD0] =	vst v58  }
.Ltmp4:
0x3d: {  	[tilespmem:s31+$0xFFFFFFE0] =	vst v59;
	(pc) =	sbr.rel @p0 .LBB1_3-.Ltmp4, $4  }
0x3e: {  	[tilespmem:s31+$0xFFFFFFF0] =	vst v60  }
0x3f: {  	[tilespmem:s31+$0x0] =	vst v61  }
0x40: {  	[tilespmem:s31+$0x10] =	vst v62  }
0x41: {  	s17 =	sadd.s32 $0x80, s17;
	s18 =	sadd.s32 $0x400, s18;
	[tilespmem:s31+$0x20] =	vst v63  }
0x42: {  	s14 =	sand.u32 $0x1FFFFFF, s14  }
0x43: {  	s17 =	smulhi.u32 $0xE38E39, s14  }
0x44: {  	s15 =	smul.u32 $0x9000, s15  }
0x45: {  	s17 =	smul.u32 $0x120, s17  }
.Ltmp5:
0x46: {  	_ = 	snop;
	(pc) =	sbr.rel .LBB1_7-.Ltmp5, $4  }
0x47: {  	s14 =	ssub.s32 s14, s17  }
0x48: {  	s15 =	sadd.s32 s4, s15;
	s14 =	sshll.u32 s14, $0x4  }
0x49: {  	s14 =	sadd.s32 s14, s15  }
0x4a: {  	[hbm4b:s14+s8] =	stream.strided.scatter [tilespmem:s16], [sflag:$0x2], $0x4000, s9, s8, $0x38;
	[tilespmem:$0x10000] =	vst v63  }
.LBB1_8:
0x4b: {  	_ =	sfence.sel $0x180000  }
0x4c: {  	s2 =	simm.s32 $0x1;
	[bflag:$0x0] =	sbarrier.arrive $0xFFFF  }
0x4d: {  	s31 =	simm.s32 $0x2;
	[sflag:s2] =	ssyncpa.u1 $0x1  }
0x4e: {  	[sflag:s31] =	ssyncpa.u1 $0x1  }
0x4f: {  	p0 =	sne.s32 s0, $0x0;
	_ =	strace $0x9000004A  }
0x50: {  	s0 =	sadd.s32 @!p0 $0x100000, s1;
	[bflag:$0x2] =	sbarrier.arrive $0xFFFF  }
0x51: {  	[sflag:s0] =	ssyncadd.tile.s32 @!p0 $0x1;
	_ =	shalt  }
.Lfunc_end1:
_tile_overlayer_lowered:
.L_overlay_start_2:
0x52: {  	(tag) =	ssettag $0x2  }
0x53: {  	s0 =	rddreg [dreg:$0x0];
	s2 =	stileid.u32  }
0x54: {  	s1 =	rddreg [dreg:$0x1];
	p0 =	sne.s32 s2, $0x0  }
0x55: {  	s3 =	rddreg [dreg:$0x2];
	[bflag:$0x3] =	sbarrier.arrive $0xFFFF;
	s2 =	simm.s32 @!p0 $0x1C01  }
0x56: {  	[timem:s3], [sflag:s2] =	dma.local @!p0 [hbm:s0], s1  }
0x57: {  	s0 =	simm.s32 @!p0 $0x1  }
0x58: {  	_ =	swait.ge @!p0 [sflag:s0], s1  }
0x59: {  	s1 =	ssub.s32 @!p0 $0x0, s1;
	[sflag:s0] =	ssyncset.done @!p0 $0x0  }
0x5a: {  	[sflag:s0] =	ssyncadd.s32 @!p0 s1  }
0x5b: {  	[bflag:$0x3] =	sbarrier.arrive $0xFFFF  }
0x5c: {  	_ =	shalt  }

</sc_bundles>
